<compile_context>
chip_gen: v7x
topology: tpu7x:2x2x1
jax: 0.10.2.dev20260603
libtpu: 0.0.44.dev20260713+nightly
codegen_flags: <defaults>
</compile_context>

<pallas_src>
import functools

import jax
import jax.numpy as jnp
from jax import lax
from jax.experimental import pallas as pl
from jax.experimental.pallas import tpu as pltpu
from jax.experimental.pallas import tpu_sc as plsc

N = 2048
D = 768
DH = D // 2
HD = 512
E = 8
K = 2
BR = 256
PT = N * K + E * BR
NB = PT // BR
NBPAD = 64
CF = 1.25
ALPHA = 0.01

NW = 32
TPW = N // NW


def _pack(a, b):
    au = lax.bitcast_convert_type(a.astype(jnp.bfloat16), jnp.uint16)
    bu = lax.bitcast_convert_type(b.astype(jnp.bfloat16), jnp.uint16)
    word = au.astype(jnp.uint32) | (bu.astype(jnp.uint32) << 16)
    return lax.bitcast_convert_type(word, jnp.int32)


def _unpack(w):
    wu = lax.bitcast_convert_type(w, jnp.uint32)
    a = lax.bitcast_convert_type(wu << 16, jnp.float32)
    b = lax.bitcast_convert_type(wu & jnp.uint32(0xFFFF0000), jnp.float32)
    return a, b


def _router_body(x_ref, wr_ref, br_ref, w_out, x16_out, dest_out, smap_out,
                 aux_out):
    xf = x_ref[0]
    x16_out[...] = _pack(xf[:, :DH], xf[:, DH:])
    logits = jnp.dot(xf, wr_ref[...],
                     preferred_element_type=jnp.float32) + br_ref[...]
    m = jnp.max(logits, axis=1, keepdims=True)
    ex = jnp.exp(logits - m)
    sm = ex / jnp.sum(ex, axis=1, keepdims=True)

    iota = lax.broadcasted_iota(jnp.int32, (N, E), 1).astype(jnp.float32)
    m0 = jnp.max(sm, axis=1, keepdims=True)
    i0 = jnp.min(jnp.where(sm == m0, iota, jnp.float32(E)), axis=1,
                 keepdims=True)
    sm1 = jnp.where(iota == i0, -jnp.inf, sm)
    m1 = jnp.max(sm1, axis=1, keepdims=True)
    i1 = jnp.min(jnp.where(sm1 == m1, iota, jnp.float32(E)), axis=1,
                 keepdims=True)
    denom = m0 + m1 + 1e-9
    w_out[...] = jnp.concatenate([m0 / denom, m1 / denom], axis=1)

    oh0 = (iota == i0).astype(jnp.float32)
    oh1 = (iota == i1).astype(jnp.float32)
    oh = oh0 + oh1

    cnt = jnp.sum(oh, axis=0, keepdims=True)
    cap = CF * (N * K) / E
    aux_out[0, 0] = ALPHA * jnp.sum(jnp.maximum(cnt - cap, 0.0)) / E / N

    c = oh
    d = 1
    while d < N:
        c = c + jnp.concatenate(
            [jnp.zeros((d, E), jnp.float32), c[: N - d, :]], axis=0)
        d *= 2
    cex = c - oh

    p_e = jnp.ceil(cnt / BR) * BR
    s = p_e
    d = 1
    while d < E:
        s = s + jnp.concatenate(
            [jnp.zeros((1, d), jnp.float32), s[:, : E - d]], axis=1)
        d *= 2
    start_ex = s - p_e

    dest0 = (jnp.sum(oh0 * start_ex, axis=1, keepdims=True)
             + jnp.sum(oh0 * cex, axis=1, keepdims=True))
    dest1 = (jnp.sum(oh1 * start_ex, axis=1, keepdims=True)
             + jnp.sum(oh1 * cex, axis=1, keepdims=True))
    dest_out[...] = jnp.transpose(
        jnp.concatenate([dest0, dest1], axis=1).astype(jnp.int32))

    nb_e = p_e / BR
    cum_nb = s / BR
    nb_tot = jnp.sum(nb_e)
    biota = lax.broadcasted_iota(jnp.int32, (NBPAD, E), 0).astype(jnp.float32)
    be = jnp.sum((cum_nb <= biota).astype(jnp.float32), axis=1, keepdims=True)
    eidx = lax.broadcasted_iota(jnp.int32, (1, E), 1).astype(jnp.float32)
    last_e = jnp.max(jnp.where(cnt > 0, eidx, 0.0))
    em = jnp.minimum(be, last_e)
    bcol = lax.broadcasted_iota(jnp.int32, (NBPAD, 1), 0).astype(jnp.float32)
    act = (bcol < nb_tot).astype(jnp.float32)

    eidx_row = lax.broadcasted_iota(jnp.int32, (NBPAD, E), 1).astype(
        jnp.float32)
    active_row = (cnt > 0).astype(jnp.float32)
    ohb = (eidx_row == em).astype(jnp.float32)
    ps = jnp.sum(ohb * start_ex, axis=1, keepdims=True)
    first = ((bcol * BR) == ps).astype(jnp.float32) * act
    seg = jnp.sum(active_row * (eidx_row < em).astype(jnp.float32),
                  axis=1, keepdims=True)
    slot = seg - 2.0 * jnp.floor(seg / 2.0)
    nxtmat = jnp.where((active_row > 0) & (eidx_row > em), eidx_row, 99.0)
    nxt = jnp.min(nxtmat, axis=1, keepdims=True)
    hn = (nxt < 99.0).astype(jnp.float32) * act
    nxt = jnp.minimum(nxt, last_e)
    pad = jnp.zeros((NBPAD, 2), jnp.float32)
    smap_out[...] = jnp.concatenate(
        [em, act, first, slot, nxt, hn, pad], axis=1).astype(jnp.int32)


_router_call = pl.pallas_call(
    _router_body,
    out_shape=(
        jax.ShapeDtypeStruct((N, K), jnp.float32),
        jax.ShapeDtypeStruct((N, DH), jnp.int32),
        jax.ShapeDtypeStruct((K, N), jnp.int32),
        jax.ShapeDtypeStruct((NBPAD, 8), jnp.int32),
        jax.ShapeDtypeStruct((1, 1), jnp.float32),
    ),
    out_specs=(
        pl.BlockSpec(memory_space=pltpu.VMEM),
        pl.BlockSpec(memory_space=pltpu.VMEM),
        pl.BlockSpec(memory_space=pltpu.VMEM),
        pl.BlockSpec(memory_space=pltpu.VMEM),
        pl.BlockSpec(memory_space=pltpu.SMEM),
    ),
)


@functools.cache
def _sc_kernels():
    mesh = plsc.VectorSubcoreMesh(core_axis_name="c", subcore_axis_name="s")

    @functools.partial(
        pl.kernel,
        mesh=mesh,
        out_type=jax.ShapeDtypeStruct((PT, DH), jnp.int32),
        scratch_types=[
            pltpu.VMEM((TPW, DH), jnp.int32),
            pltpu.VMEM((TPW,), jnp.int32),
            pltpu.VMEM((TPW,), jnp.int32),
            pltpu.SemaphoreType.DMA,
        ],
    )
    def _dispatch(xf_hbm, destT_hbm, xs_hbm, xrows, idx0, idx1, sem):
        wid = lax.axis_index("s") * 2 + lax.axis_index("c")
        base = wid * TPW
        pltpu.sync_copy(xf_hbm.at[pl.ds(base, TPW)], xrows)
        pltpu.sync_copy(destT_hbm.at[0, pl.ds(base, TPW)], idx0)
        pltpu.sync_copy(destT_hbm.at[1, pl.ds(base, TPW)], idx1)
        pltpu.async_copy(xrows, xs_hbm.at[idx0], sem).wait()
        pltpu.async_copy(xrows, xs_hbm.at[idx1], sem).wait()

    @functools.partial(
        pl.kernel,
        mesh=mesh,
        out_type=(
            jax.ShapeDtypeStruct((N, DH), jnp.int32),
            jax.ShapeDtypeStruct((N, DH), jnp.int32),
        ),
        scratch_types=[
            pltpu.VMEM((TPW, DH), jnp.int32),
            pltpu.VMEM((TPW, DH), jnp.int32),
            pltpu.VMEM((TPW,), jnp.int32),
            pltpu.VMEM((TPW,), jnp.int32),
            pltpu.SemaphoreType.DMA,
        ],
    )
    def _combine_gather(ys_hbm, destT_hbm, ye_hbm, yo_hbm, arows, brows,
                        idx0, idx1, sem):
        wid = lax.axis_index("s") * 2 + lax.axis_index("c")
        base = wid * TPW
        pltpu.sync_copy(destT_hbm.at[0, pl.ds(base, TPW)], idx0)
        pltpu.sync_copy(destT_hbm.at[1, pl.ds(base, TPW)], idx1)
        pltpu.async_copy(ys_hbm.at[idx0], arows, sem).wait()
        pltpu.async_copy(ys_hbm.at[idx1], brows, sem).wait()
        pltpu.sync_copy(arows, ye_hbm.at[pl.ds(base, TPW)])
        pltpu.sync_copy(brows, yo_hbm.at[pl.ds(base, TPW)])

    return _dispatch, _combine_gather


def _ffn_body(smap_ref, xs_ref, wg_hbm, wu_hbm, wd_hbm, bg_ref, bu_ref,
              bd_ref, y_ref, wg_buf, wu_buf, wd_buf, wg16, wu16, wd16, sems):
    b = pl.program_id(0)
    s = smap_ref[b, 3]

    def _start(e, sl):
        pltpu.make_async_copy(wg_hbm.at[e], wg_buf.at[sl], sems.at[sl]).start()
        pltpu.make_async_copy(wu_hbm.at[e], wu_buf.at[sl], sems.at[sl]).start()
        pltpu.make_async_copy(wd_hbm.at[e], wd_buf.at[sl], sems.at[sl]).start()

    def _wait(e, sl):
        pltpu.make_async_copy(wg_hbm.at[e], wg_buf.at[sl], sems.at[sl]).wait()
        pltpu.make_async_copy(wu_hbm.at[e], wu_buf.at[sl], sems.at[sl]).wait()
        pltpu.make_async_copy(wd_hbm.at[e], wd_buf.at[sl], sems.at[sl]).wait()

    is_first = (smap_ref[b, 2] != 0) & (smap_ref[b, 1] != 0)

    @pl.when(b == 0)
    def _():
        _start(smap_ref[b, 0], s)

    @pl.when(is_first)
    def _():
        _wait(smap_ref[b, 0], s)
        wg16[...] = wg_buf[s].astype(jnp.bfloat16)
        wu16[...] = wu_buf[s].astype(jnp.bfloat16)
        wd16[...] = wd_buf[s].astype(jnp.bfloat16)

    @pl.when(is_first & (smap_ref[b, 5] != 0))
    def _():
        _start(smap_ref[b, 4], 1 - s)

    @pl.when(smap_ref[b, 1] != 0)
    def _():
        xa, xb_ = _unpack(xs_ref[...])
        xa = xa.astype(jnp.bfloat16)
        xb_ = xb_.astype(jnp.bfloat16)
        g = (jnp.dot(xa, wg16[:DH, :], preferred_element_type=jnp.float32)
             + jnp.dot(xb_, wg16[DH:, :], preferred_element_type=jnp.float32)
             + bg_ref[0])
        u = (jnp.dot(xa, wu16[:DH, :], preferred_element_type=jnp.float32)
             + jnp.dot(xb_, wu16[DH:, :], preferred_element_type=jnp.float32)
             + bu_ref[0])
        h = (g * (u * jax.nn.sigmoid(u))).astype(jnp.bfloat16)
        ya = (jnp.dot(h, wd16[:, :DH], preferred_element_type=jnp.float32)
              + bd_ref[0][:, :DH])
        yb = (jnp.dot(h, wd16[:, DH:], preferred_element_type=jnp.float32)
              + bd_ref[0][:, DH:])
        y_ref[...] = _pack(ya, yb)


_ffn_call = pl.pallas_call(
    _ffn_body,
    grid_spec=pltpu.PrefetchScalarGridSpec(
        num_scalar_prefetch=1,
        grid=(NB,),
        in_specs=[
            pl.BlockSpec((BR, DH), lambda b, sm: (b, 0)),
            pl.BlockSpec(memory_space=pl.ANY),
            pl.BlockSpec(memory_space=pl.ANY),
            pl.BlockSpec(memory_space=pl.ANY),
            pl.BlockSpec((1, 1, HD), lambda b, sm: (sm[b, 0], 0, 0)),
            pl.BlockSpec((1, 1, HD), lambda b, sm: (sm[b, 0], 0, 0)),
            pl.BlockSpec((1, 1, D), lambda b, sm: (sm[b, 0], 0, 0)),
        ],
        out_specs=pl.BlockSpec((BR, DH), lambda b, sm: (b, 0)),
        scratch_shapes=[
            pltpu.VMEM((2, D, HD), jnp.float32),
            pltpu.VMEM((2, D, HD), jnp.float32),
            pltpu.VMEM((2, HD, D), jnp.float32),
            pltpu.VMEM((D, HD), jnp.bfloat16),
            pltpu.VMEM((D, HD), jnp.bfloat16),
            pltpu.VMEM((HD, D), jnp.bfloat16),
            pltpu.SemaphoreType.DMA((2,)),
        ],
    ),
    out_shape=jax.ShapeDtypeStruct((PT, DH), jnp.int32),
)


def _combine_body(ye_ref, yo_ref, w_ref, out_ref):
    ea, eb = _unpack(ye_ref[...])
    oa, ob = _unpack(yo_ref[...])
    w0 = w_ref[:, 0:1]
    w1 = w_ref[:, 1:2]
    out_ref[0] = jnp.concatenate(
        [ea * w0 + oa * w1, eb * w0 + ob * w1], axis=1)


_combine_call = pl.pallas_call(
    _combine_body,
    grid=(N // 1024,),
    in_specs=[
        pl.BlockSpec((1024, DH), lambda b: (b, 0)),
        pl.BlockSpec((1024, DH), lambda b: (b, 0)),
        pl.BlockSpec((1024, K), lambda b: (b, 0)),
    ],
    out_specs=pl.BlockSpec((1, 1024, D), lambda b: (0, b, 0)),
    out_shape=jax.ShapeDtypeStruct((1, N, D), jnp.float32),
)


def kernel(x, Wr, br, Wg, bg, Wu, bu, Wd, bd):
    Bv, Sv, Dv = x.shape
    (w, x16, destT, smap, aux) = _router_call(x, Wr, br.reshape(1, E))
    dispatch, combine_gather = _sc_kernels()
    xs = dispatch(x16, destT)
    ys = _ffn_call(smap, xs, Wg, Wu, Wd, bg.reshape(E, 1, HD),
                   bu.reshape(E, 1, HD), bd.reshape(E, 1, D))
    ye, yo = combine_gather(ys, destT)
    out = _combine_call(ye, yo, w)
    return out, aux[0, 0]

# --- scband reference (transcript-rebuilt; emitter-appended) ---
"""Pipeline reference for scband-deep-seek-mo-e-10754598109817 (READ-ONLY COPY).

The authoritative reference and input builder live on the scoring server;
editing this copy changes nothing except your own understanding.
"""

import jax, jax.numpy as jnp
import numpy as np

B, S, D = 1, 2048, 768
H = 512
E = 8
K = 2
CF = 1.25
ALPHA = 0.01


def setup_inputs(seed: int = 0) -> dict:
    key = jax.random.key(seed)
    ks = jax.random.split(key, 8)
    inp = {}
    inp["x"] = jax.random.normal(ks[0], (B, S, D), dtype=jnp.float32)
    # router gate linear (d_model -> num_experts)
    inp["Wr"] = jax.random.normal(ks[1], (D, E), dtype=jnp.float32) * 0.02
    inp["br"] = jnp.zeros((E,), dtype=jnp.float32)
    # per-expert SwiGLU weights
    inp["Wg"] = jax.random.normal(ks[2], (E, D, H), dtype=jnp.float32) * 0.02
    inp["bg"] = jnp.zeros((E, H), dtype=jnp.float32)
    inp["Wu"] = jax.random.normal(ks[3], (E, D, H), dtype=jnp.float32) * 0.02
    inp["bu"] = jnp.zeros((E, H), dtype=jnp.float32)
    inp["Wd"] = jax.random.normal(ks[4], (E, H, D), dtype=jnp.float32) * 0.02
    inp["bd"] = jnp.zeros((E, D), dtype=jnp.float32)
    return inp


def _silu(v):
    return v * jax.nn.sigmoid(v)


def reference(x, Wr, br, Wg, bg, Wu, bu, Wd, bd):
    Bv, Sv, Dv = x.shape
    xf = x.reshape(-1, Dv)
    # MoEGate
    logits = xf @ Wr + br
    scores = jax.nn.softmax(logits, axis=-1)
    topk_weights, topk_indices = jax.lax.top_k(scores, K)
    # norm_topk_prob=True and top_k > 1
    denom = jnp.sum(topk_weights, axis=-1, keepdims=True) + 1e-9
    topk_weights = topk_weights / denom
    # load = sum of one-hot over all (token, k) slots -> scatter-add
    load = jnp.zeros((E,), dtype=jnp.float32).at[topk_indices.reshape(-1)].add(1.0)
    n_tokens = xf.shape[0]
    capacity = CF * (n_tokens * K) / E
    capacity_penalty = jnp.sum(jax.nn.relu(load - capacity)) / E / (Bv * Sv)
    aux_loss = ALPHA * capacity_penalty
    # dispatch: repeat each token top_k times, route to its expert
    flat_idx = topk_indices.reshape(-1)
    x_rep = jnp.repeat(xf, K, axis=0)
    out = jnp.zeros_like(x_rep)
    for e in range(E):
        g = x_rep @ Wg[e] + bg[e]
        u = x_rep @ Wu[e] + bu[e]
        y = (g * _silu(u)) @ Wd[e] + bd[e]
        out = jnp.where((flat_idx == e)[:, None], y, out)
    out = out.reshape(Bv, Sv, K, Dv)
    out = jnp.sum(out * topk_weights.reshape(Bv, Sv, K, 1), axis=2)
    return (out, aux_loss)

if __name__ == "__main__":
    import jax
    _d = setup_inputs()
    print(jax.jit(kernel)(*tuple(_d.values())))

</pallas_src>

<mosaic_0001>
#map = affine_map<(d0, d1) -> (0, 0)>
module attributes {stable_mosaic.version = 14 : i64} {
  func.func @_combine_gather(%arg0: i32, %arg1: i32, %arg2: memref<6144x384xi32, #tpu.memory_space<hbm>>, %arg3: memref<2x2048xi32, #tpu.memory_space<hbm>>, %arg4: memref<2048x384xi32, #tpu.memory_space<hbm>>, %arg5: memref<2048x384xi32, #tpu.memory_space<hbm>>, %arg6: memref<64x384xi32, #tpu.memory_space<vmem>>, %arg7: memref<64x384xi32, #tpu.memory_space<vmem>>, %arg8: memref<64xi32, #tpu.memory_space<vmem>>, %arg9: memref<64xi32, #tpu.memory_space<vmem>>, %arg10: memref<!tpu.dma_semaphore, #tpu.memory_space<semaphore_mem>>) attributes {dimension_semantics = [#tpu.dimension_semantics<core_parallel>, #tpu.dimension_semantics<subcore_parallel>], iteration_bounds = array<i64: 2, 16>, scalar_prefetch = 0 : i64, scratch_operands = 5 : i64, tpu.core_type = #tpu.core_type<sc_vector_subcore>, window_params = [{transform_indices = #map}, {transform_indices = #map}, {transform_indices = #map}, {transform_indices = #map}]} {
    %mul3A = arith.constant 2 : i32
    %mul3A_0 = arith.muli %arg1, %mul3A : i32
    %add3A = arith.addi %mul3A_0, %arg0 : i32
    %mul3A_1 = arith.constant 64 : i32
    %mul3A_2 = arith.muli %add3A, %mul3A_1 : i32
    %run_scoped3A = arith.constant 0 : i32
    "tpu.region"() ({
      %run_scoped3A_14 = tpu.sem_alloc : memref<!tpu.dma_semaphore, #tpu.memory_space<semaphore_mem>>
      %dma_start3A_15 = tpu.memref_slice %arg3[%run_scoped3A, %mul3A_2] : memref<2x2048xi32, #tpu.memory_space<hbm>> -> memref<1x64xi32, #tpu.memory_space<hbm>>
      %dma_start3A_16 = tpu.memref_squeeze %dma_start3A_15 : memref<1x64xi32, #tpu.memory_space<hbm>> -> memref<64xi32, #tpu.memory_space<hbm>>
      %dma_start3A_17 = tpu.memref_slice %arg3[%run_scoped3A, %mul3A_2] : memref<2x2048xi32, #tpu.memory_space<hbm>> -> memref<1x64xi32, #tpu.memory_space<hbm>>
      %dma_start3A_18 = tpu.memref_squeeze %dma_start3A_17 : memref<1x64xi32, #tpu.memory_space<hbm>> -> memref<64xi32, #tpu.memory_space<hbm>>
      tpu.enqueue_dma source(%dma_start3A_18 : memref<64xi32, #tpu.memory_space<hbm>>) target(%arg8 : memref<64xi32, #tpu.memory_space<vmem>>) target_semaphore(%run_scoped3A_14 : memref<!tpu.dma_semaphore, #tpu.memory_space<semaphore_mem>>)
      %dma_wait3A_19 = tpu.memref_slice %arg3[%run_scoped3A, %mul3A_2] : memref<2x2048xi32, #tpu.memory_space<hbm>> -> memref<1x64xi32, #tpu.memory_space<hbm>>
      %dma_wait3A_20 = tpu.memref_squeeze %dma_wait3A_19 : memref<1x64xi32, #tpu.memory_space<hbm>> -> memref<64xi32, #tpu.memory_space<hbm>>
      %dma_wait3A_21 = tpu.memref_slice %arg3[%run_scoped3A, %mul3A_2] : memref<2x2048xi32, #tpu.memory_space<hbm>> -> memref<1x64xi32, #tpu.memory_space<hbm>>
      %dma_wait3A_22 = tpu.memref_squeeze %dma_wait3A_21 : memref<1x64xi32, #tpu.memory_space<hbm>> -> memref<64xi32, #tpu.memory_space<hbm>>
      tpu.wait_dma2 semaphore(%run_scoped3A_14 : memref<!tpu.dma_semaphore, #tpu.memory_space<semaphore_mem>>) src(%dma_wait3A_22 : memref<64xi32, #tpu.memory_space<hbm>>) dst(%arg8 : memref<64xi32, #tpu.memory_space<vmem>>)
      tpu.yield
    }) : () -> ()
    %run_scoped3A_3 = arith.constant 1 : i32
    "tpu.region"() ({
      %run_scoped3A_14 = tpu.sem_alloc : memref<!tpu.dma_semaphore, #tpu.memory_space<semaphore_mem>>
      %dma_start3A_15 = tpu.memref_slice %arg3[%run_scoped3A_3, %mul3A_2] : memref<2x2048xi32, #tpu.memory_space<hbm>> -> memref<1x64xi32, #tpu.memory_space<hbm>>
      %dma_start3A_16 = tpu.memref_squeeze %dma_start3A_15 : memref<1x64xi32, #tpu.memory_space<hbm>> -> memref<64xi32, #tpu.memory_space<hbm>>
      %dma_start3A_17 = tpu.memref_slice %arg3[%run_scoped3A_3, %mul3A_2] : memref<2x2048xi32, #tpu.memory_space<hbm>> -> memref<1x64xi32, #tpu.memory_space<hbm>>
      %dma_start3A_18 = tpu.memref_squeeze %dma_start3A_17 : memref<1x64xi32, #tpu.memory_space<hbm>> -> memref<64xi32, #tpu.memory_space<hbm>>
      tpu.enqueue_dma source(%dma_start3A_18 : memref<64xi32, #tpu.memory_space<hbm>>) target(%arg9 : memref<64xi32, #tpu.memory_space<vmem>>) target_semaphore(%run_scoped3A_14 : memref<!tpu.dma_semaphore, #tpu.memory_space<semaphore_mem>>)
      %dma_wait3A_19 = tpu.memref_slice %arg3[%run_scoped3A_3, %mul3A_2] : memref<2x2048xi32, #tpu.memory_space<hbm>> -> memref<1x64xi32, #tpu.memory_space<hbm>>
      %dma_wait3A_20 = tpu.memref_squeeze %dma_wait3A_19 : memref<1x64xi32, #tpu.memory_space<hbm>> -> memref<64xi32, #tpu.memory_space<hbm>>
      %dma_wait3A_21 = tpu.memref_slice %arg3[%run_scoped3A_3, %mul3A_2] : memref<2x2048xi32, #tpu.memory_space<hbm>> -> memref<1x64xi32, #tpu.memory_space<hbm>>
      %dma_wait3A_22 = tpu.memref_squeeze %dma_wait3A_21 : memref<1x64xi32, #tpu.memory_space<hbm>> -> memref<64xi32, #tpu.memory_space<hbm>>
      tpu.wait_dma2 semaphore(%run_scoped3A_14 : memref<!tpu.dma_semaphore, #tpu.memory_space<semaphore_mem>>) src(%dma_wait3A_22 : memref<64xi32, #tpu.memory_space<hbm>>) dst(%arg9 : memref<64xi32, #tpu.memory_space<vmem>>)
      tpu.yield
    }) : () -> ()
    %dma_start3A = arith.constant 0 : i32
    %dma_start3A_4 = arith.constant 0 : i32
    %dma_start3A_5 = tpu.memref_slice %arg2[%dma_start3A, %dma_start3A_4] : memref<6144x384xi32, #tpu.memory_space<hbm>> -> memref<6144x384xi32, #tpu.memory_space<hbm>>
    tpu.enqueue_indirect_dma source(%dma_start3A_5 : memref<6144x384xi32, #tpu.memory_space<hbm>>) target(%arg6 : memref<64x384xi32, #tpu.memory_space<vmem>>) offsets(%arg8 : memref<64xi32, #tpu.memory_space<vmem>>) semaphore(%arg10 : memref<!tpu.dma_semaphore, #tpu.memory_space<semaphore_mem>>)
    %dma_wait3A = arith.constant 0 : i32
    %dma_wait3A_6 = arith.constant 0 : i32
    %dma_wait3A_7 = tpu.memref_slice %arg2[%dma_wait3A, %dma_wait3A_6] : memref<6144x384xi32, #tpu.memory_space<hbm>> -> memref<6144x384xi32, #tpu.memory_space<hbm>>
    tpu.wait_indirect_dma semaphore(%arg10 : memref<!tpu.dma_semaphore, #tpu.memory_space<semaphore_mem>>) src(%dma_wait3A_7 : memref<6144x384xi32, #tpu.memory_space<hbm>>) dst(%arg6 : memref<64x384xi32, #tpu.memory_space<vmem>>)
    %dma_start3A_8 = arith.constant 0 : i32
    %dma_start3A_9 = arith.constant 0 : i32
    %dma_start3A_10 = tpu.memref_slice %arg2[%dma_start3A_8, %dma_start3A_9] : memref<6144x384xi32, #tpu.memory_space<hbm>> -> memref<6144x384xi32, #tpu.memory_space<hbm>>
    tpu.enqueue_indirect_dma source(%dma_start3A_10 : memref<6144x384xi32, #tpu.memory_space<hbm>>) target(%arg7 : memref<64x384xi32, #tpu.memory_space<vmem>>) offsets(%arg9 : memref<64xi32, #tpu.memory_space<vmem>>) semaphore(%arg10 : memref<!tpu.dma_semaphore, #tpu.memory_space<semaphore_mem>>)
    %dma_wait3A_11 = arith.constant 0 : i32
    %dma_wait3A_12 = arith.constant 0 : i32
    %dma_wait3A_13 = tpu.memref_slice %arg2[%dma_wait3A_11, %dma_wait3A_12] : memref<6144x384xi32, #tpu.memory_space<hbm>> -> memref<6144x384xi32, #tpu.memory_space<hbm>>
    tpu.wait_indirect_dma semaphore(%arg10 : memref<!tpu.dma_semaphore, #tpu.memory_space<semaphore_mem>>) src(%dma_wait3A_13 : memref<6144x384xi32, #tpu.memory_space<hbm>>) dst(%arg7 : memref<64x384xi32, #tpu.memory_space<vmem>>)
    "tpu.region"() ({
      %run_scoped3A_14 = tpu.sem_alloc : memref<!tpu.dma_semaphore, #tpu.memory_space<semaphore_mem>>
      %dma_start3A_15 = arith.constant 0 : i32
      %dma_start3A_16 = tpu.memref_slice %arg4[%mul3A_2, %dma_start3A_15] : memref<2048x384xi32, #tpu.memory_space<hbm>> -> memref<64x384xi32, #tpu.memory_space<hbm>>
      %dma_start3A_17 = arith.constant 0 : i32
      %dma_start3A_18 = tpu.memref_slice %arg4[%mul3A_2, %dma_start3A_17] : memref<2048x384xi32, #tpu.memory_space<hbm>> -> memref<64x384xi32, #tpu.memory_space<hbm>>
      tpu.enqueue_dma source(%arg6 : memref<64x384xi32, #tpu.memory_space<vmem>>) target(%dma_start3A_18 : memref<64x384xi32, #tpu.memory_space<hbm>>) target_semaphore(%run_scoped3A_14 : memref<!tpu.dma_semaphore, #tpu.memory_space<semaphore_mem>>)
      %dma_wait3A_19 = arith.constant 0 : i32
      %dma_wait3A_20 = tpu.memref_slice %arg4[%mul3A_2, %dma_wait3A_19] : memref<2048x384xi32, #tpu.memory_space<hbm>> -> memref<64x384xi32, #tpu.memory_space<hbm>>
      %dma_wait3A_21 = arith.constant 0 : i32
      %dma_wait3A_22 = tpu.memref_slice %arg4[%mul3A_2, %dma_wait3A_21] : memref<2048x384xi32, #tpu.memory_space<hbm>> -> memref<64x384xi32, #tpu.memory_space<hbm>>
      tpu.wait_dma2 semaphore(%run_scoped3A_14 : memref<!tpu.dma_semaphore, #tpu.memory_space<semaphore_mem>>) src(%arg6 : memref<64x384xi32, #tpu.memory_space<vmem>>) dst(%dma_wait3A_22 : memref<64x384xi32, #tpu.memory_space<hbm>>)
      tpu.yield
    }) : () -> ()
    "tpu.region"() ({
      %run_scoped3A_14 = tpu.sem_alloc : memref<!tpu.dma_semaphore, #tpu.memory_space<semaphore_mem>>
      %dma_start3A_15 = arith.constant 0 : i32
      %dma_start3A_16 = tpu.memref_slice %arg5[%mul3A_2, %dma_start3A_15] : memref<2048x384xi32, #tpu.memory_space<hbm>> -> memref<64x384xi32, #tpu.memory_space<hbm>>
      %dma_start3A_17 = arith.constant 0 : i32
      %dma_start3A_18 = tpu.memref_slice %arg5[%mul3A_2, %dma_start3A_17] : memref<2048x384xi32, #tpu.memory_space<hbm>> -> memref<64x384xi32, #tpu.memory_space<hbm>>
      tpu.enqueue_dma source(%arg7 : memref<64x384xi32, #tpu.memory_space<vmem>>) target(%dma_start3A_18 : memref<64x384xi32, #tpu.memory_space<hbm>>) target_semaphore(%run_scoped3A_14 : memref<!tpu.dma_semaphore, #tpu.memory_space<semaphore_mem>>)
      %dma_wait3A_19 = arith.constant 0 : i32
      %dma_wait3A_20 = tpu.memref_slice %arg5[%mul3A_2, %dma_wait3A_19] : memref<2048x384xi32, #tpu.memory_space<hbm>> -> memref<64x384xi32, #tpu.memory_space<hbm>>
      %dma_wait3A_21 = arith.constant 0 : i32
      %dma_wait3A_22 = tpu.memref_slice %arg5[%mul3A_2, %dma_wait3A_21] : memref<2048x384xi32, #tpu.memory_space<hbm>> -> memref<64x384xi32, #tpu.memory_space<hbm>>
      tpu.wait_dma2 semaphore(%run_scoped3A_14 : memref<!tpu.dma_semaphore, #tpu.memory_space<semaphore_mem>>) src(%arg7 : memref<64x384xi32, #tpu.memory_space<vmem>>) dst(%dma_wait3A_22 : memref<64x384xi32, #tpu.memory_space<hbm>>)
      tpu.yield
    }) : () -> ()
    return
  }
}

#map = affine_map<(d0, d1) -> (0, 0)>
module attributes {stable_mosaic.version = 14 : i64} {
  func.func @_dispatch(%arg0: i32, %arg1: i32, %arg2: memref<2048x384xi32, #tpu.memory_space<hbm>>, %arg3: memref<2x2048xi32, #tpu.memory_space<hbm>>, %arg4: memref<6144x384xi32, #tpu.memory_space<hbm>>, %arg5: memref<64x384xi32, #tpu.memory_space<vmem>>, %arg6: memref<64xi32, #tpu.memory_space<vmem>>, %arg7: memref<64xi32, #tpu.memory_space<vmem>>, %arg8: memref<!tpu.dma_semaphore, #tpu.memory_space<semaphore_mem>>) attributes {dimension_semantics = [#tpu.dimension_semantics<core_parallel>, #tpu.dimension_semantics<subcore_parallel>], iteration_bounds = array<i64: 2, 16>, scalar_prefetch = 0 : i64, scratch_operands = 4 : i64, tpu.core_type = #tpu.core_type<sc_vector_subcore>, window_params = [{transform_indices = #map}, {transform_indices = #map}, {transform_indices = #map}]} {
    %mul3A = arith.constant 2 : i32
    %mul3A_0 = arith.muli %arg1, %mul3A : i32
    %add3A = arith.addi %mul3A_0, %arg0 : i32
    %mul3A_1 = arith.constant 64 : i32
    %mul3A_2 = arith.muli %add3A, %mul3A_1 : i32
    "tpu.region"() ({
      %run_scoped3A_14 = tpu.sem_alloc : memref<!tpu.dma_semaphore, #tpu.memory_space<semaphore_mem>>
      %dma_start3A_15 = arith.constant 0 : i32
      %dma_start3A_16 = tpu.memref_slice %arg2[%mul3A_2, %dma_start3A_15] : memref<2048x384xi32, #tpu.memory_space<hbm>> -> memref<64x384xi32, #tpu.memory_space<hbm>>
      %dma_start3A_17 = arith.constant 0 : i32
      %dma_start3A_18 = tpu.memref_slice %arg2[%mul3A_2, %dma_start3A_17] : memref<2048x384xi32, #tpu.memory_space<hbm>> -> memref<64x384xi32, #tpu.memory_space<hbm>>
      tpu.enqueue_dma source(%dma_start3A_18 : memref<64x384xi32, #tpu.memory_space<hbm>>) target(%arg5 : memref<64x384xi32, #tpu.memory_space<vmem>>) target_semaphore(%run_scoped3A_14 : memref<!tpu.dma_semaphore, #tpu.memory_space<semaphore_mem>>)
      %dma_wait3A_19 = arith.constant 0 : i32
      %dma_wait3A_20 = tpu.memref_slice %arg2[%mul3A_2, %dma_wait3A_19] : memref<2048x384xi32, #tpu.memory_space<hbm>> -> memref<64x384xi32, #tpu.memory_space<hbm>>
      %dma_wait3A_21 = arith.constant 0 : i32
      %dma_wait3A_22 = tpu.memref_slice %arg2[%mul3A_2, %dma_wait3A_21] : memref<2048x384xi32, #tpu.memory_space<hbm>> -> memref<64x384xi32, #tpu.memory_space<hbm>>
      tpu.wait_dma2 semaphore(%run_scoped3A_14 : memref<!tpu.dma_semaphore, #tpu.memory_space<semaphore_mem>>) src(%dma_wait3A_22 : memref<64x384xi32, #tpu.memory_space<hbm>>) dst(%arg5 : memref<64x384xi32, #tpu.memory_space<vmem>>)
      tpu.yield
    }) : () -> ()
    %run_scoped3A = arith.constant 0 : i32
    "tpu.region"() ({
      %run_scoped3A_14 = tpu.sem_alloc : memref<!tpu.dma_semaphore, #tpu.memory_space<semaphore_mem>>
      %dma_start3A_15 = tpu.memref_slice %arg3[%run_scoped3A, %mul3A_2] : memref<2x2048xi32, #tpu.memory_space<hbm>> -> memref<1x64xi32, #tpu.memory_space<hbm>>
      %dma_start3A_16 = tpu.memref_squeeze %dma_start3A_15 : memref<1x64xi32, #tpu.memory_space<hbm>> -> memref<64xi32, #tpu.memory_space<hbm>>
      %dma_start3A_17 = tpu.memref_slice %arg3[%run_scoped3A, %mul3A_2] : memref<2x2048xi32, #tpu.memory_space<hbm>> -> memref<1x64xi32, #tpu.memory_space<hbm>>
      %dma_start3A_18 = tpu.memref_squeeze %dma_start3A_17 : memref<1x64xi32, #tpu.memory_space<hbm>> -> memref<64xi32, #tpu.memory_space<hbm>>
      tpu.enqueue_dma source(%dma_start3A_18 : memref<64xi32, #tpu.memory_space<hbm>>) target(%arg6 : memref<64xi32, #tpu.memory_space<vmem>>) target_semaphore(%run_scoped3A_14 : memref<!tpu.dma_semaphore, #tpu.memory_space<semaphore_mem>>)
      %dma_wait3A_19 = tpu.memref_slice %arg3[%run_scoped3A, %mul3A_2] : memref<2x2048xi32, #tpu.memory_space<hbm>> -> memref<1x64xi32, #tpu.memory_space<hbm>>
      %dma_wait3A_20 = tpu.memref_squeeze %dma_wait3A_19 : memref<1x64xi32, #tpu.memory_space<hbm>> -> memref<64xi32, #tpu.memory_space<hbm>>
      %dma_wait3A_21 = tpu.memref_slice %arg3[%run_scoped3A, %mul3A_2] : memref<2x2048xi32, #tpu.memory_space<hbm>> -> memref<1x64xi32, #tpu.memory_space<hbm>>
      %dma_wait3A_22 = tpu.memref_squeeze %dma_wait3A_21 : memref<1x64xi32, #tpu.memory_space<hbm>> -> memref<64xi32, #tpu.memory_space<hbm>>
      tpu.wait_dma2 semaphore(%run_scoped3A_14 : memref<!tpu.dma_semaphore, #tpu.memory_space<semaphore_mem>>) src(%dma_wait3A_22 : memref<64xi32, #tpu.memory_space<hbm>>) dst(%arg6 : memref<64xi32, #tpu.memory_space<vmem>>)
      tpu.yield
    }) : () -> ()
    %run_scoped3A_3 = arith.constant 1 : i32
    "tpu.region"() ({
      %run_scoped3A_14 = tpu.sem_alloc : memref<!tpu.dma_semaphore, #tpu.memory_space<semaphore_mem>>
      %dma_start3A_15 = tpu.memref_slice %arg3[%run_scoped3A_3, %mul3A_2] : memref<2x2048xi32, #tpu.memory_space<hbm>> -> memref<1x64xi32, #tpu.memory_space<hbm>>
      %dma_start3A_16 = tpu.memref_squeeze %dma_start3A_15 : memref<1x64xi32, #tpu.memory_space<hbm>> -> memref<64xi32, #tpu.memory_space<hbm>>
      %dma_start3A_17 = tpu.memref_slice %arg3[%run_scoped3A_3, %mul3A_2] : memref<2x2048xi32, #tpu.memory_space<hbm>> -> memref<1x64xi32, #tpu.memory_space<hbm>>
      %dma_start3A_18 = tpu.memref_squeeze %dma_start3A_17 : memref<1x64xi32, #tpu.memory_space<hbm>> -> memref<64xi32, #tpu.memory_space<hbm>>
      tpu.enqueue_dma source(%dma_start3A_18 : memref<64xi32, #tpu.memory_space<hbm>>) target(%arg7 : memref<64xi32, #tpu.memory_space<vmem>>) target_semaphore(%run_scoped3A_14 : memref<!tpu.dma_semaphore, #tpu.memory_space<semaphore_mem>>)
      %dma_wait3A_19 = tpu.memref_slice %arg3[%run_scoped3A_3, %mul3A_2] : memref<2x2048xi32, #tpu.memory_space<hbm>> -> memref<1x64xi32, #tpu.memory_space<hbm>>
      %dma_wait3A_20 = tpu.memref_squeeze %dma_wait3A_19 : memref<1x64xi32, #tpu.memory_space<hbm>> -> memref<64xi32, #tpu.memory_space<hbm>>
      %dma_wait3A_21 = tpu.memref_slice %arg3[%run_scoped3A_3, %mul3A_2] : memref<2x2048xi32, #tpu.memory_space<hbm>> -> memref<1x64xi32, #tpu.memory_space<hbm>>
      %dma_wait3A_22 = tpu.memref_squeeze %dma_wait3A_21 : memref<1x64xi32, #tpu.memory_space<hbm>> -> memref<64xi32, #tpu.memory_space<hbm>>
      tpu.wait_dma2 semaphore(%run_scoped3A_14 : memref<!tpu.dma_semaphore, #tpu.memory_space<semaphore_mem>>) src(%dma_wait3A_22 : memref<64xi32, #tpu.memory_space<hbm>>) dst(%arg7 : memref<64xi32, #tpu.memory_space<vmem>>)
      tpu.yield
    }) : () -> ()
    %dma_start3A = arith.constant 0 : i32
    %dma_start3A_4 = arith.constant 0 : i32
    %dma_start3A_5 = tpu.memref_slice %arg4[%dma_start3A, %dma_start3A_4] : memref<6144x384xi32, #tpu.memory_space<hbm>> -> memref<6144x384xi32, #tpu.memory_space<hbm>>
    tpu.enqueue_indirect_dma source(%arg5 : memref<64x384xi32, #tpu.memory_space<vmem>>) target(%dma_start3A_5 : memref<6144x384xi32, #tpu.memory_space<hbm>>) offsets(%arg6 : memref<64xi32, #tpu.memory_space<vmem>>) semaphore(%arg8 : memref<!tpu.dma_semaphore, #tpu.memory_space<semaphore_mem>>)
    %dma_wait3A = arith.constant 0 : i32
    %dma_wait3A_6 = arith.constant 0 : i32
    %dma_wait3A_7 = tpu.memref_slice %arg4[%dma_wait3A, %dma_wait3A_6] : memref<6144x384xi32, #tpu.memory_space<hbm>> -> memref<6144x384xi32, #tpu.memory_space<hbm>>
    tpu.wait_indirect_dma semaphore(%arg8 : memref<!tpu.dma_semaphore, #tpu.memory_space<semaphore_mem>>) src(%arg5 : memref<64x384xi32, #tpu.memory_space<vmem>>) dst(%dma_wait3A_7 : memref<6144x384xi32, #tpu.memory_space<hbm>>)
    %dma_start3A_8 = arith.constant 0 : i32
    %dma_start3A_9 = arith.constant 0 : i32
    %dma_start3A_10 = tpu.memref_slice %arg4[%dma_start3A_8, %dma_start3A_9] : memref<6144x384xi32, #tpu.memory_space<hbm>> -> memref<6144x384xi32, #tpu.memory_space<hbm>>
    tpu.enqueue_indirect_dma source(%arg5 : memref<64x384xi32, #tpu.memory_space<vmem>>) target(%dma_start3A_10 : memref<6144x384xi32, #tpu.memory_space<hbm>>) offsets(%arg7 : memref<64xi32, #tpu.memory_space<vmem>>) semaphore(%arg8 : memref<!tpu.dma_semaphore, #tpu.memory_space<semaphore_mem>>)
    %dma_wait3A_11 = arith.constant 0 : i32
    %dma_wait3A_12 = arith.constant 0 : i32
    %dma_wait3A_13 = tpu.memref_slice %arg4[%dma_wait3A_11, %dma_wait3A_12] : memref<6144x384xi32, #tpu.memory_space<hbm>> -> memref<6144x384xi32, #tpu.memory_space<hbm>>
    tpu.wait_indirect_dma semaphore(%arg8 : memref<!tpu.dma_semaphore, #tpu.memory_space<semaphore_mem>>) src(%arg5 : memref<64x384xi32, #tpu.memory_space<vmem>>) dst(%dma_wait3A_13 : memref<6144x384xi32, #tpu.memory_space<hbm>>)
    return
  }
}

module attributes {stable_mosaic.version = 14 : i64} {
  func.func @_ffn_body(%arg0: i32, %arg1: memref<64x8xi32, #tpu.memory_space<smem>>, %arg2: memref<256x384xi32, #tpu.memory_space<vmem>>, %arg3: memref<8x768x512xf32, #tpu.memory_space<any>>, %arg4: memref<8x768x512xf32, #tpu.memory_space<any>>, %arg5: memref<8x512x768xf32, #tpu.memory_space<any>>, %arg6: memref<1x1x512xf32, #tpu.memory_space<vmem>>, %arg7: memref<1x1x512xf32, #tpu.memory_space<vmem>>, %arg8: memref<1x1x768xf32, #tpu.memory_space<vmem>>, %arg9: memref<256x384xi32, #tpu.memory_space<vmem>>, %arg10: memref<2x768x512xf32, #tpu.memory_space<vmem>>, %arg11: memref<2x768x512xf32, #tpu.memory_space<vmem>>, %arg12: memref<2x512x768xf32, #tpu.memory_space<vmem>>, %arg13: memref<768x512xbf16, #tpu.memory_space<vmem>>, %arg14: memref<768x512xbf16, #tpu.memory_space<vmem>>, %arg15: memref<512x768xbf16, #tpu.memory_space<vmem>>, %arg16: memref<2x!tpu.dma_semaphore, #tpu.memory_space<semaphore_mem>>) attributes {dimension_semantics = [#tpu.dimension_semantics<arbitrary>], iteration_bounds = array<i64: 24>, scalar_prefetch = 1 : i64, scratch_operands = 7 : i64, tpu.core_type = #tpu.core_type<tc>, window_params = [{transform_indices = @transform_0, window_bounds = array<i64: 256, 384>}, {}, {}, {}, {transform_indices = @transform_4, window_bounds = array<i64: 1, 1, 512>}, {transform_indices = @transform_5, window_bounds = array<i64: 1, 1, 512>}, {transform_indices = @transform_6, window_bounds = array<i64: 1, 1, 768>}, {transform_indices = @transform_7, window_bounds = array<i64: 256, 384>}]} {
    %get3A = arith.index_cast %arg0 : i32 to index
    %get3A_0 = arith.constant 3 : index
    %get3A_1 = memref.load %arg1[%get3A, %get3A_0] : memref<64x8xi32, #tpu.memory_space<smem>>
    %get3A_2 = arith.index_cast %arg0 : i32 to index
    %get3A_3 = arith.constant 2 : index
    %get3A_4 = memref.load %arg1[%get3A_2, %get3A_3] : memref<64x8xi32, #tpu.memory_space<smem>>
    %ne3A = arith.constant 0 : i32
    %ne3A_5 = arith.cmpi ne, %get3A_4, %ne3A : i32
    %get3A_6 = arith.index_cast %arg0 : i32 to index
    %get3A_7 = arith.constant 1 : index
    %get3A_8 = memref.load %arg1[%get3A_6, %get3A_7] : memref<64x8xi32, #tpu.memory_space<smem>>
    %ne3A_9 = arith.constant 0 : i32
    %ne3A_10 = arith.cmpi ne, %get3A_8, %ne3A_9 : i32
    %and3A = arith.andi %ne3A_5, %ne3A_10 : i1
    %eq3A = arith.constant 0 : i32
    %eq3A_11 = arith.cmpi eq, %arg0, %eq3A : i32
    %convert_element_type3A = arith.extui %eq3A_11 : i1 to i32
    %cond3A = arith.constant 0 : i32
    %cond3A_12 = arith.cmpi ne, %convert_element_type3A, %cond3A : i32
    scf.if %cond3A_12 {
      %get3A_33 = arith.index_cast %arg0 : i32 to index
      %get3A_34 = arith.constant 0 : index
      %get3A_35 = memref.load %arg1[%get3A_33, %get3A_34] : memref<64x8xi32, #tpu.memory_space<smem>>
      %dma_start3A = tpu.memref_slice %arg16[%get3A_1] : memref<2x!tpu.dma_semaphore, #tpu.memory_space<semaphore_mem>> -> memref<1x!tpu.dma_semaphore, #tpu.memory_space<semaphore_mem>>
      %dma_start3A_36 = tpu.memref_squeeze %dma_start3A : memref<1x!tpu.dma_semaphore, #tpu.memory_space<semaphore_mem>> -> memref<!tpu.dma_semaphore, #tpu.memory_space<semaphore_mem>>
      %dma_start3A_37 = arith.constant 0 : i32
      %dma_start3A_38 = arith.constant 0 : i32
      %dma_start3A_39 = tpu.memref_slice %arg10[%get3A_1, %dma_start3A_37, %dma_start3A_38] : memref<2x768x512xf32, #tpu.memory_space<vmem>> -> memref<1x768x512xf32, #tpu.memory_space<vmem>>
      %dma_start3A_40 = tpu.memref_squeeze %dma_start3A_39 : memref<1x768x512xf32, #tpu.memory_space<vmem>> -> memref<768x512xf32, #tpu.memory_space<vmem>>
      %dma_start3A_41 = arith.constant 0 : i32
      %dma_start3A_42 = arith.constant 0 : i32
      %dma_start3A_43 = tpu.memref_slice %arg3[%get3A_35, %dma_start3A_41, %dma_start3A_42] : memref<8x768x512xf32, #tpu.memory_space<any>> -> memref<1x768x512xf32, #tpu.memory_space<any>>
      %dma_start3A_44 = tpu.memref_squeeze %dma_start3A_43 : memref<1x768x512xf32, #tpu.memory_space<any>> -> memref<768x512xf32, #tpu.memory_space<any>>
      tpu.enqueue_dma source(%dma_start3A_44 : memref<768x512xf32, #tpu.memory_space<any>>) target(%dma_start3A_40 : memref<768x512xf32, #tpu.memory_space<vmem>>) target_semaphore(%dma_start3A_36 : memref<!tpu.dma_semaphore, #tpu.memory_space<semaphore_mem>>)
      %dma_start3A_45 = tpu.memref_slice %arg16[%get3A_1] : memref<2x!tpu.dma_semaphore, #tpu.memory_space<semaphore_mem>> -> memref<1x!tpu.dma_semaphore, #tpu.memory_space<semaphore_mem>>
      %dma_start3A_46 = tpu.memref_squeeze %dma_start3A_45 : memref<1x!tpu.dma_semaphore, #tpu.memory_space<semaphore_mem>> -> memref<!tpu.dma_semaphore, #tpu.memory_space<semaphore_mem>>
      %dma_start3A_47 = arith.constant 0 : i32
      %dma_start3A_48 = arith.constant 0 : i32
      %dma_start3A_49 = tpu.memref_slice %arg11[%get3A_1, %dma_start3A_47, %dma_start3A_48] : memref<2x768x512xf32, #tpu.memory_space<vmem>> -> memref<1x768x512xf32, #tpu.memory_space<vmem>>
      %dma_start3A_50 = tpu.memref_squeeze %dma_start3A_49 : memref<1x768x512xf32, #tpu.memory_space<vmem>> -> memref<768x512xf32, #tpu.memory_space<vmem>>
      %dma_start3A_51 = arith.constant 0 : i32
      %dma_start3A_52 = arith.constant 0 : i32
      %dma_start3A_53 = tpu.memref_slice %arg4[%get3A_35, %dma_start3A_51, %dma_start3A_52] : memref<8x768x512xf32, #tpu.memory_space<any>> -> memref<1x768x512xf32, #tpu.memory_space<any>>
      %dma_start3A_54 = tpu.memref_squeeze %dma_start3A_53 : memref<1x768x512xf32, #tpu.memory_space<any>> -> memref<768x512xf32, #tpu.memory_space<any>>
      tpu.enqueue_dma source(%dma_start3A_54 : memref<768x512xf32, #tpu.memory_space<any>>) target(%dma_start3A_50 : memref<768x512xf32, #tpu.memory_space<vmem>>) target_semaphore(%dma_start3A_46 : memref<!tpu.dma_semaphore, #tpu.memory_space<semaphore_mem>>)
      %dma_start3A_55 = tpu.memref_slice %arg16[%get3A_1] : memref<2x!tpu.dma_semaphore, #tpu.memory_space<semaphore_mem>> -> memref<1x!tpu.dma_semaphore, #tpu.memory_space<semaphore_mem>>
      %dma_start3A_56 = tpu.memref_squeeze %dma_start3A_55 : memref<1x!tpu.dma_semaphore, #tpu.memory_space<semaphore_mem>> -> memref<!tpu.dma_semaphore, #tpu.memory_space<semaphore_mem>>
      %dma_start3A_57 = arith.constant 0 : i32
      %dma_start3A_58 = arith.constant 0 : i32
      %dma_start3A_59 = tpu.memref_slice %arg12[%get3A_1, %dma_start3A_57, %dma_start3A_58] : memref<2x512x768xf32, #tpu.memory_space<vmem>> -> memref<1x512x768xf32, #tpu.memory_space<vmem>>
      %dma_start3A_60 = tpu.memref_squeeze %dma_start3A_59 : memref<1x512x768xf32, #tpu.memory_space<vmem>> -> memref<512x768xf32, #tpu.memory_space<vmem>>
      %dma_start3A_61 = arith.constant 0 : i32
      %dma_start3A_62 = arith.constant 0 : i32
      %dma_start3A_63 = tpu.memref_slice %arg5[%get3A_35, %dma_start3A_61, %dma_start3A_62] : memref<8x512x768xf32, #tpu.memory_space<any>> -> memref<1x512x768xf32, #tpu.memory_space<any>>
      %dma_start3A_64 = tpu.memref_squeeze %dma_start3A_63 : memref<1x512x768xf32, #tpu.memory_space<any>> -> memref<512x768xf32, #tpu.memory_space<any>>
      tpu.enqueue_dma source(%dma_start3A_64 : memref<512x768xf32, #tpu.memory_space<any>>) target(%dma_start3A_60 : memref<512x768xf32, #tpu.memory_space<vmem>>) target_semaphore(%dma_start3A_56 : memref<!tpu.dma_semaphore, #tpu.memory_space<semaphore_mem>>)
    } else {
    }
    %convert_element_type3A_13 = arith.extui %and3A : i1 to i32
    %cond3A_14 = arith.constant 0 : i32
    %cond3A_15 = arith.cmpi ne, %convert_element_type3A_13, %cond3A_14 : i32
    scf.if %cond3A_15 {
      %get3A_33 = arith.index_cast %arg0 : i32 to index
      %get3A_34 = arith.constant 0 : index
      %get3A_35 = memref.load %arg1[%get3A_33, %get3A_34] : memref<64x8xi32, #tpu.memory_space<smem>>
      %dma_wait3A = tpu.memref_slice %arg16[%get3A_1] : memref<2x!tpu.dma_semaphore, #tpu.memory_space<semaphore_mem>> -> memref<1x!tpu.dma_semaphore, #tpu.memory_space<semaphore_mem>>
      %dma_wait3A_36 = tpu.memref_squeeze %dma_wait3A : memref<1x!tpu.dma_semaphore, #tpu.memory_space<semaphore_mem>> -> memref<!tpu.dma_semaphore, #tpu.memory_space<semaphore_mem>>
      %dma_wait3A_37 = arith.constant 0 : i32
      %dma_wait3A_38 = arith.constant 0 : i32
      %dma_wait3A_39 = tpu.memref_slice %arg10[%get3A_1, %dma_wait3A_37, %dma_wait3A_38] : memref<2x768x512xf32, #tpu.memory_space<vmem>> -> memref<1x768x512xf32, #tpu.memory_space<vmem>>
      %dma_wait3A_40 = tpu.memref_squeeze %dma_wait3A_39 : memref<1x768x512xf32, #tpu.memory_space<vmem>> -> memref<768x512xf32, #tpu.memory_space<vmem>>
      %dma_wait3A_41 = arith.constant 0 : i32
      %dma_wait3A_42 = arith.constant 0 : i32
      %dma_wait3A_43 = tpu.memref_slice %arg3[%get3A_35, %dma_wait3A_41, %dma_wait3A_42] : memref<8x768x512xf32, #tpu.memory_space<any>> -> memref<1x768x512xf32, #tpu.memory_space<any>>
      %dma_wait3A_44 = tpu.memref_squeeze %dma_wait3A_43 : memref<1x768x512xf32, #tpu.memory_space<any>> -> memref<768x512xf32, #tpu.memory_space<any>>
      tpu.wait_dma2 semaphore(%dma_wait3A_36 : memref<!tpu.dma_semaphore, #tpu.memory_space<semaphore_mem>>) src(%dma_wait3A_44 : memref<768x512xf32, #tpu.memory_space<any>>) dst(%dma_wait3A_40 : memref<768x512xf32, #tpu.memory_space<vmem>>)
      %dma_wait3A_45 = tpu.memref_slice %arg16[%get3A_1] : memref<2x!tpu.dma_semaphore, #tpu.memory_space<semaphore_mem>> -> memref<1x!tpu.dma_semaphore, #tpu.memory_space<semaphore_mem>>
      %dma_wait3A_46 = tpu.memref_squeeze %dma_wait3A_45 : memref<1x!tpu.dma_semaphore, #tpu.memory_space<semaphore_mem>> -> memref<!tpu.dma_semaphore, #tpu.memory_space<semaphore_mem>>
      %dma_wait3A_47 = arith.constant 0 : i32
      %dma_wait3A_48 = arith.constant 0 : i32
      %dma_wait3A_49 = tpu.memref_slice %arg11[%get3A_1, %dma_wait3A_47, %dma_wait3A_48] : memref<2x768x512xf32, #tpu.memory_space<vmem>> -> memref<1x768x512xf32, #tpu.memory_space<vmem>>
      %dma_wait3A_50 = tpu.memref_squeeze %dma_wait3A_49 : memref<1x768x512xf32, #tpu.memory_space<vmem>> -> memref<768x512xf32, #tpu.memory_space<vmem>>
      %dma_wait3A_51 = arith.constant 0 : i32
      %dma_wait3A_52 = arith.constant 0 : i32
      %dma_wait3A_53 = tpu.memref_slice %arg4[%get3A_35, %dma_wait3A_51, %dma_wait3A_52] : memref<8x768x512xf32, #tpu.memory_space<any>> -> memref<1x768x512xf32, #tpu.memory_space<any>>
      %dma_wait3A_54 = tpu.memref_squeeze %dma_wait3A_53 : memref<1x768x512xf32, #tpu.memory_space<any>> -> memref<768x512xf32, #tpu.memory_space<any>>
      tpu.wait_dma2 semaphore(%dma_wait3A_46 : memref<!tpu.dma_semaphore, #tpu.memory_space<semaphore_mem>>) src(%dma_wait3A_54 : memref<768x512xf32, #tpu.memory_space<any>>) dst(%dma_wait3A_50 : memref<768x512xf32, #tpu.memory_space<vmem>>)
      %dma_wait3A_55 = tpu.memref_slice %arg16[%get3A_1] : memref<2x!tpu.dma_semaphore, #tpu.memory_space<semaphore_mem>> -> memref<1x!tpu.dma_semaphore, #tpu.memory_space<semaphore_mem>>
      %dma_wait3A_56 = tpu.memref_squeeze %dma_wait3A_55 : memref<1x!tpu.dma_semaphore, #tpu.memory_space<semaphore_mem>> -> memref<!tpu.dma_semaphore, #tpu.memory_space<semaphore_mem>>
      %dma_wait3A_57 = arith.constant 0 : i32
      %dma_wait3A_58 = arith.constant 0 : i32
      %dma_wait3A_59 = tpu.memref_slice %arg12[%get3A_1, %dma_wait3A_57, %dma_wait3A_58] : memref<2x512x768xf32, #tpu.memory_space<vmem>> -> memref<1x512x768xf32, #tpu.memory_space<vmem>>
      %dma_wait3A_60 = tpu.memref_squeeze %dma_wait3A_59 : memref<1x512x768xf32, #tpu.memory_space<vmem>> -> memref<512x768xf32, #tpu.memory_space<vmem>>
      %dma_wait3A_61 = arith.constant 0 : i32
      %dma_wait3A_62 = arith.constant 0 : i32
      %dma_wait3A_63 = tpu.memref_slice %arg5[%get3A_35, %dma_wait3A_61, %dma_wait3A_62] : memref<8x512x768xf32, #tpu.memory_space<any>> -> memref<1x512x768xf32, #tpu.memory_space<any>>
      %dma_wait3A_64 = tpu.memref_squeeze %dma_wait3A_63 : memref<1x512x768xf32, #tpu.memory_space<any>> -> memref<512x768xf32, #tpu.memory_space<any>>
      tpu.wait_dma2 semaphore(%dma_wait3A_56 : memref<!tpu.dma_semaphore, #tpu.memory_space<semaphore_mem>>) src(%dma_wait3A_64 : memref<512x768xf32, #tpu.memory_space<any>>) dst(%dma_wait3A_60 : memref<512x768xf32, #tpu.memory_space<vmem>>)
      %get3A_65 = arith.index_cast %get3A_1 : i32 to index
      %get3A_66 = arith.constant 0 : index
      %get3A_67 = arith.constant 0 : index
      %get3A_68 = vector.load %arg10[%get3A_65, %get3A_66, %get3A_67] : memref<2x768x512xf32, #tpu.memory_space<vmem>>, vector<1x768x512xf32>
      %get3A_69 = vector.shape_cast %get3A_68 : vector<1x768x512xf32> to vector<768x512xf32>
      %convert_element_type3A_70 = arith.truncf %get3A_69 : vector<768x512xf32> to vector<768x512xbf16>
      %swap3A = arith.constant 0 : index
      %swap3A_71 = arith.constant 0 : index
      %swap3A_72 = vector.load %arg13[%swap3A, %swap3A_71] : memref<768x512xbf16, #tpu.memory_space<vmem>>, vector<768x512xbf16>
      tpu.vector_store %arg13[%swap3A, %swap3A_71], %convert_element_type3A_70 {strides = array<i32>} : memref<768x512xbf16, #tpu.memory_space<vmem>>, vector<768x512xbf16>,
      %get3A_73 = arith.index_cast %get3A_1 : i32 to index
      %get3A_74 = arith.constant 0 : index
      %get3A_75 = arith.constant 0 : index
      %get3A_76 = vector.load %arg11[%get3A_73, %get3A_74, %get3A_75] : memref<2x768x512xf32, #tpu.memory_space<vmem>>, vector<1x768x512xf32>
      %get3A_77 = vector.shape_cast %get3A_76 : vector<1x768x512xf32> to vector<768x512xf32>
      %convert_element_type3A_78 = arith.truncf %get3A_77 : vector<768x512xf32> to vector<768x512xbf16>
      %swap3A_79 = arith.constant 0 : index
      %swap3A_80 = arith.constant 0 : index
      %swap3A_81 = vector.load %arg14[%swap3A_79, %swap3A_80] : memref<768x512xbf16, #tpu.memory_space<vmem>>, vector<768x512xbf16>
      tpu.vector_store %arg14[%swap3A_79, %swap3A_80], %convert_element_type3A_78 {strides = array<i32>} : memref<768x512xbf16, #tpu.memory_space<vmem>>, vector<768x512xbf16>,
      %get3A_82 = arith.index_cast %get3A_1 : i32 to index
      %get3A_83 = arith.constant 0 : index
      %get3A_84 = arith.constant 0 : index
      %get3A_85 = vector.load %arg12[%get3A_82, %get3A_83, %get3A_84] : memref<2x512x768xf32, #tpu.memory_space<vmem>>, vector<1x512x768xf32>
      %get3A_86 = vector.shape_cast %get3A_85 : vector<1x512x768xf32> to vector<512x768xf32>
      %convert_element_type3A_87 = arith.truncf %get3A_86 : vector<512x768xf32> to vector<512x768xbf16>
      %swap3A_88 = arith.constant 0 : index
      %swap3A_89 = arith.constant 0 : index
      %swap3A_90 = vector.load %arg15[%swap3A_88, %swap3A_89] : memref<512x768xbf16, #tpu.memory_space<vmem>>, vector<512x768xbf16>
      tpu.vector_store %arg15[%swap3A_88, %swap3A_89], %convert_element_type3A_87 {strides = array<i32>} : memref<512x768xbf16, #tpu.memory_space<vmem>>, vector<512x768xbf16>,
    } else {
    }
    %get3A_16 = arith.index_cast %arg0 : i32 to index
    %get3A_17 = arith.constant 5 : index
    %get3A_18 = memref.load %arg1[%get3A_16, %get3A_17] : memref<64x8xi32, #tpu.memory_space<smem>>
    %ne3A_19 = arith.constant 0 : i32
    %ne3A_20 = arith.cmpi ne, %get3A_18, %ne3A_19 : i32
    %and3A_21 = arith.andi %and3A, %ne3A_20 : i1
    %convert_element_type3A_22 = arith.extui %and3A_21 : i1 to i32
    %cond3A_23 = arith.constant 0 : i32
    %cond3A_24 = arith.cmpi ne, %convert_element_type3A_22, %cond3A_23 : i32
    scf.if %cond3A_24 {
      %get3A_33 = arith.index_cast %arg0 : i32 to index
      %get3A_34 = arith.constant 4 : index
      %get3A_35 = memref.load %arg1[%get3A_33, %get3A_34] : memref<64x8xi32, #tpu.memory_space<smem>>
      %sub3A = arith.constant 1 : i32
      %sub3A_36 = arith.subi %sub3A, %get3A_1 : i32
      %dma_start3A = tpu.memref_slice %arg16[%sub3A_36] : memref<2x!tpu.dma_semaphore, #tpu.memory_space<semaphore_mem>> -> memref<1x!tpu.dma_semaphore, #tpu.memory_space<semaphore_mem>>
      %dma_start3A_37 = tpu.memref_squeeze %dma_start3A : memref<1x!tpu.dma_semaphore, #tpu.memory_space<semaphore_mem>> -> memref<!tpu.dma_semaphore, #tpu.memory_space<semaphore_mem>>
      %dma_start3A_38 = arith.constant 0 : i32
      %dma_start3A_39 = arith.constant 0 : i32
      %dma_start3A_40 = tpu.memref_slice %arg10[%sub3A_36, %dma_start3A_38, %dma_start3A_39] : memref<2x768x512xf32, #tpu.memory_space<vmem>> -> memref<1x768x512xf32, #tpu.memory_space<vmem>>
      %dma_start3A_41 = tpu.memref_squeeze %dma_start3A_40 : memref<1x768x512xf32, #tpu.memory_space<vmem>> -> memref<768x512xf32, #tpu.memory_space<vmem>>
      %dma_start3A_42 = arith.constant 0 : i32
      %dma_start3A_43 = arith.constant 0 : i32
      %dma_start3A_44 = tpu.memref_slice %arg3[%get3A_35, %dma_start3A_42, %dma_start3A_43] : memref<8x768x512xf32, #tpu.memory_space<any>> -> memref<1x768x512xf32, #tpu.memory_space<any>>
      %dma_start3A_45 = tpu.memref_squeeze %dma_start3A_44 : memref<1x768x512xf32, #tpu.memory_space<any>> -> memref<768x512xf32, #tpu.memory_space<any>>
      tpu.enqueue_dma source(%dma_start3A_45 : memref<768x512xf32, #tpu.memory_space<any>>) target(%dma_start3A_41 : memref<768x512xf32, #tpu.memory_space<vmem>>) target_semaphore(%dma_start3A_37 : memref<!tpu.dma_semaphore, #tpu.memory_space<semaphore_mem>>)
      %dma_start3A_46 = tpu.memref_slice %arg16[%sub3A_36] : memref<2x!tpu.dma_semaphore, #tpu.memory_space<semaphore_mem>> -> memref<1x!tpu.dma_semaphore, #tpu.memory_space<semaphore_mem>>
      %dma_start3A_47 = tpu.memref_squeeze %dma_start3A_46 : memref<1x!tpu.dma_semaphore, #tpu.memory_space<semaphore_mem>> -> memref<!tpu.dma_semaphore, #tpu.memory_space<semaphore_mem>>
      %dma_start3A_48 = arith.constant 0 : i32
      %dma_start3A_49 = arith.constant 0 : i32
      %dma_start3A_50 = tpu.memref_slice %arg11[%sub3A_36, %dma_start3A_48, %dma_start3A_49] : memref<2x768x512xf32, #tpu.memory_space<vmem>> -> memref<1x768x512xf32, #tpu.memory_space<vmem>>
      %dma_start3A_51 = tpu.memref_squeeze %dma_start3A_50 : memref<1x768x512xf32, #tpu.memory_space<vmem>> -> memref<768x512xf32, #tpu.memory_space<vmem>>
      %dma_start3A_52 = arith.constant 0 : i32
      %dma_start3A_53 = arith.constant 0 : i32
      %dma_start3A_54 = tpu.memref_slice %arg4[%get3A_35, %dma_start3A_52, %dma_start3A_53] : memref<8x768x512xf32, #tpu.memory_space<any>> -> memref<1x768x512xf32, #tpu.memory_space<any>>
      %dma_start3A_55 = tpu.memref_squeeze %dma_start3A_54 : memref<1x768x512xf32, #tpu.memory_space<any>> -> memref<768x512xf32, #tpu.memory_space<any>>
      tpu.enqueue_dma source(%dma_start3A_55 : memref<768x512xf32, #tpu.memory_space<any>>) target(%dma_start3A_51 : memref<768x512xf32, #tpu.memory_space<vmem>>) target_semaphore(%dma_start3A_47 : memref<!tpu.dma_semaphore, #tpu.memory_space<semaphore_mem>>)
      %dma_start3A_56 = tpu.memref_slice %arg16[%sub3A_36] : memref<2x!tpu.dma_semaphore, #tpu.memory_space<semaphore_mem>> -> memref<1x!tpu.dma_semaphore, #tpu.memory_space<semaphore_mem>>
      %dma_start3A_57 = tpu.memref_squeeze %dma_start3A_56 : memref<1x!tpu.dma_semaphore, #tpu.memory_space<semaphore_mem>> -> memref<!tpu.dma_semaphore, #tpu.memory_space<semaphore_mem>>
      %dma_start3A_58 = arith.constant 0 : i32
      %dma_start3A_59 = arith.constant 0 : i32
      %dma_start3A_60 = tpu.memref_slice %arg12[%sub3A_36, %dma_start3A_58, %dma_start3A_59] : memref<2x512x768xf32, #tpu.memory_space<vmem>> -> memref<1x512x768xf32, #tpu.memory_space<vmem>>
      %dma_start3A_61 = tpu.memref_squeeze %dma_start3A_60 : memref<1x512x768xf32, #tpu.memory_space<vmem>> -> memref<512x768xf32, #tpu.memory_space<vmem>>
      %dma_start3A_62 = arith.constant 0 : i32
      %dma_start3A_63 = arith.constant 0 : i32
      %dma_start3A_64 = tpu.memref_slice %arg5[%get3A_35, %dma_start3A_62, %dma_start3A_63] : memref<8x512x768xf32, #tpu.memory_space<any>> -> memref<1x512x768xf32, #tpu.memory_space<any>>
      %dma_start3A_65 = tpu.memref_squeeze %dma_start3A_64 : memref<1x512x768xf32, #tpu.memory_space<any>> -> memref<512x768xf32, #tpu.memory_space<any>>
      tpu.enqueue_dma source(%dma_start3A_65 : memref<512x768xf32, #tpu.memory_space<any>>) target(%dma_start3A_61 : memref<512x768xf32, #tpu.memory_space<vmem>>) target_semaphore(%dma_start3A_57 : memref<!tpu.dma_semaphore, #tpu.memory_space<semaphore_mem>>)
    } else {
    }
    %get3A_25 = arith.index_cast %arg0 : i32 to index
    %get3A_26 = arith.constant 1 : index
    %get3A_27 = memref.load %arg1[%get3A_25, %get3A_26] : memref<64x8xi32, #tpu.memory_space<smem>>
    %ne3A_28 = arith.constant 0 : i32
    %ne3A_29 = arith.cmpi ne, %get3A_27, %ne3A_28 : i32
    %convert_element_type3A_30 = arith.extui %ne3A_29 : i1 to i32
    %cond3A_31 = arith.constant 0 : i32
    %cond3A_32 = arith.cmpi ne, %convert_element_type3A_30, %cond3A_31 : i32
    scf.if %cond3A_32 {
      %get3A_33 = arith.constant 0 : index
      %get3A_34 = arith.constant 0 : index
      %get3A_35 = vector.load %arg2[%get3A_33, %get3A_34] : memref<256x384xi32, #tpu.memory_space<vmem>>, vector<256x384xi32>
      %bitcast_convert_type3A = tpu.bitcast %get3A_35 : vector<256x384xi32> -> vector<256x384xi32>
      %shift_left3A = arith.constant 16 : i32
      %shift_left3A_36 = vector.broadcast %shift_left3A : i32 to vector<256x384xi32>
      %shift_left3A_37 = arith.shli %bitcast_convert_type3A, %shift_left3A_36 : vector<256x384xi32>
      %bitcast_convert_type3A_38 = tpu.bitcast %shift_left3A_37 : vector<256x384xi32> -> vector<256x384xf32>
      %and3A_39 = arith.constant -65536 : i32
      %and3A_40 = vector.broadcast %and3A_39 : i32 to vector<256x384xi32>
      %and3A_41 = arith.andi %bitcast_convert_type3A, %and3A_40 : vector<256x384xi32>
      %bitcast_convert_type3A_42 = tpu.bitcast %and3A_41 : vector<256x384xi32> -> vector<256x384xf32>
      %convert_element_type3A_43 = arith.truncf %bitcast_convert_type3A_38 : vector<256x384xf32> to vector<256x384xbf16>
      %convert_element_type3A_44 = arith.truncf %bitcast_convert_type3A_42 : vector<256x384xf32> to vector<256x384xbf16>
      %get3A_45 = arith.constant 0 : index
      %get3A_46 = arith.constant 0 : index
      %get3A_47 = vector.load %arg13[%get3A_45, %get3A_46] : memref<768x512xbf16, #tpu.memory_space<vmem>>, vector<384x512xbf16>
      %dot_general3A = arith.constant dense<0.000000e+00> : vector<256x512xf32>
      %dot_general3A_48 = tpu.matmul %convert_element_type3A_43, %get3A_47, %dot_general3A {dimension_numbers = #tpu.dot_dimension_numbers<[1], [0], [0], [1], [0, 0, 1, 1], [], []>, transpose_lhs_hint = false} : vector<256x384xbf16>, vector<384x512xbf16>, vector<256x512xf32> -> vector<256x512xf32>
      %get3A_49 = arith.constant 384 : index
      %get3A_50 = arith.constant 0 : index
      %get3A_51 = vector.load %arg13[%get3A_49, %get3A_50] : memref<768x512xbf16, #tpu.memory_space<vmem>>, vector<384x512xbf16>
      %dot_general3A_52 = arith.constant dense<0.000000e+00> : vector<256x512xf32>
      %dot_general3A_53 = tpu.matmul %convert_element_type3A_44, %get3A_51, %dot_general3A_52 {dimension_numbers = #tpu.dot_dimension_numbers<[1], [0], [0], [1], [0, 0, 1, 1], [], []>, transpose_lhs_hint = false} : vector<256x384xbf16>, vector<384x512xbf16>, vector<256x512xf32> -> vector<256x512xf32>
      %add3A = arith.addf %dot_general3A_48, %dot_general3A_53 : vector<256x512xf32>
      %get3A_54 = arith.constant 0 : index
      %get3A_55 = arith.constant 0 : index
      %get3A_56 = arith.constant 0 : index
      %get3A_57 = vector.load %arg6[%get3A_54, %get3A_55, %get3A_56] : memref<1x1x512xf32, #tpu.memory_space<vmem>>, vector<1x1x512xf32>
      %get3A_58 = vector.shape_cast %get3A_57 : vector<1x1x512xf32> to vector<1x512xf32>
      %add3A_59 = vector.broadcast %get3A_58 : vector<1x512xf32> to vector<256x512xf32>
      %add3A_60 = arith.addf %add3A, %add3A_59 : vector<256x512xf32>
      %get3A_61 = arith.constant 0 : index
      %get3A_62 = arith.constant 0 : index
      %get3A_63 = vector.load %arg14[%get3A_61, %get3A_62] : memref<768x512xbf16, #tpu.memory_space<vmem>>, vector<384x512xbf16>
      %dot_general3A_64 = arith.constant dense<0.000000e+00> : vector<256x512xf32>
      %dot_general3A_65 = tpu.matmul %convert_element_type3A_43, %get3A_63, %dot_general3A_64 {dimension_numbers = #tpu.dot_dimension_numbers<[1], [0], [0], [1], [0, 0, 1, 1], [], []>, transpose_lhs_hint = false} : vector<256x384xbf16>, vector<384x512xbf16>, vector<256x512xf32> -> vector<256x512xf32>
      %get3A_66 = arith.constant 384 : index
      %get3A_67 = arith.constant 0 : index
      %get3A_68 = vector.load %arg14[%get3A_66, %get3A_67] : memref<768x512xbf16, #tpu.memory_space<vmem>>, vector<384x512xbf16>
      %dot_general3A_69 = arith.constant dense<0.000000e+00> : vector<256x512xf32>
      %dot_general3A_70 = tpu.matmul %convert_element_type3A_44, %get3A_68, %dot_general3A_69 {dimension_numbers = #tpu.dot_dimension_numbers<[1], [0], [0], [1], [0, 0, 1, 1], [], []>, transpose_lhs_hint = false} : vector<256x384xbf16>, vector<384x512xbf16>, vector<256x512xf32> -> vector<256x512xf32>
      %add3A_71 = arith.addf %dot_general3A_65, %dot_general3A_70 : vector<256x512xf32>
      %get3A_72 = arith.constant 0 : index
      %get3A_73 = arith.constant 0 : index
      %get3A_74 = arith.constant 0 : index
      %get3A_75 = vector.load %arg7[%get3A_72, %get3A_73, %get3A_74] : memref<1x1x512xf32, #tpu.memory_space<vmem>>, vector<1x1x512xf32>
      %get3A_76 = vector.shape_cast %get3A_75 : vector<1x1x512xf32> to vector<1x512xf32>
      %add3A_77 = vector.broadcast %get3A_76 : vector<1x512xf32> to vector<256x512xf32>
      %add3A_78 = arith.addf %add3A_71, %add3A_77 : vector<256x512xf32>
      %logistic3A = arith.negf %add3A_78 : vector<256x512xf32>
      %logistic3A_79 = math.exp %logistic3A : vector<256x512xf32>
      %logistic3A_80 = arith.constant 1.000000e+00 : f32
      %logistic3A_81 = vector.broadcast %logistic3A_80 : f32 to vector<256x512xf32>
      %logistic3A_82 = arith.addf %logistic3A_81, %logistic3A_79 : vector<256x512xf32>
      %logistic3A_83 = arith.divf %logistic3A_81, %logistic3A_82 : vector<256x512xf32>
      %mul3A = arith.mulf %add3A_78, %logistic3A_83 : vector<256x512xf32>
      %mul3A_84 = arith.mulf %add3A_60, %mul3A : vector<256x512xf32>
      %convert_element_type3A_85 = arith.truncf %mul3A_84 : vector<256x512xf32> to vector<256x512xbf16>
      %get3A_86 = arith.constant 0 : index
      %get3A_87 = arith.constant 0 : index
      %get3A_88 = vector.load %arg15[%get3A_86, %get3A_87] : memref<512x768xbf16, #tpu.memory_space<vmem>>, vector<512x384xbf16>
      %dot_general3A_89 = arith.constant dense<0.000000e+00> : vector<256x384xf32>
      %dot_general3A_90 = tpu.matmul %convert_element_type3A_85, %get3A_88, %dot_general3A_89 {dimension_numbers = #tpu.dot_dimension_numbers<[1], [0], [0], [1], [0, 0, 1, 1], [], []>, transpose_lhs_hint = false} : vector<256x512xbf16>, vector<512x384xbf16>, vector<256x384xf32> -> vector<256x384xf32>
      %get3A_91 = arith.constant 0 : index
      %get3A_92 = arith.constant 0 : index
      %get3A_93 = arith.constant 0 : index
      %get3A_94 = vector.load %arg8[%get3A_91, %get3A_92, %get3A_93] : memref<1x1x768xf32, #tpu.memory_space<vmem>>, vector<1x1x768xf32>
      %get3A_95 = vector.shape_cast %get3A_94 : vector<1x1x768xf32> to vector<1x768xf32>
      %slice3A = vector.extract_strided_slice %get3A_95 {offsets = [0, 0], sizes = [1, 384], strides = [1, 1]} : vector<1x768xf32> to vector<1x384xf32>
      %add3A_96 = vector.broadcast %slice3A : vector<1x384xf32> to vector<256x384xf32>
      %add3A_97 = arith.addf %dot_general3A_90, %add3A_96 : vector<256x384xf32>
      %get3A_98 = arith.constant 0 : index
      %get3A_99 = arith.constant 384 : index
      %get3A_100 = vector.load %arg15[%get3A_98, %get3A_99] : memref<512x768xbf16, #tpu.memory_space<vmem>>, vector<512x384xbf16>
      %dot_general3A_101 = arith.constant dense<0.000000e+00> : vector<256x384xf32>
      %dot_general3A_102 = tpu.matmul %convert_element_type3A_85, %get3A_100, %dot_general3A_101 {dimension_numbers = #tpu.dot_dimension_numbers<[1], [0], [0], [1], [0, 0, 1, 1], [], []>, transpose_lhs_hint = false} : vector<256x512xbf16>, vector<512x384xbf16>, vector<256x384xf32> -> vector<256x384xf32>
      %get3A_103 = arith.constant 0 : index
      %get3A_104 = arith.constant 0 : index
      %get3A_105 = arith.constant 0 : index
      %get3A_106 = vector.load %arg8[%get3A_103, %get3A_104, %get3A_105] : memref<1x1x768xf32, #tpu.memory_space<vmem>>, vector<1x1x768xf32>
      %get3A_107 = vector.shape_cast %get3A_106 : vector<1x1x768xf32> to vector<1x768xf32>
      %slice3A_108 = vector.extract_strided_slice %get3A_107 {offsets = [0, 384], sizes = [1, 384], strides = [1, 1]} : vector<1x768xf32> to vector<1x384xf32>
      %add3A_109 = vector.broadcast %slice3A_108 : vector<1x384xf32> to vector<256x384xf32>
      %add3A_110 = arith.addf %dot_general3A_102, %add3A_109 : vector<256x384xf32>
      %convert_element_type3A_111 = arith.truncf %add3A_97 : vector<256x384xf32> to vector<256x384xbf16>
      %bitcast_convert_type3A_112 = tpu.bitcast %convert_element_type3A_111 : vector<256x384xbf16> -> vector<256x384xi16>
      %convert_element_type3A_113 = arith.truncf %add3A_110 : vector<256x384xf32> to vector<256x384xbf16>
      %bitcast_convert_type3A_114 = tpu.bitcast %convert_element_type3A_113 : vector<256x384xbf16> -> vector<256x384xi16>
      %convert_element_type3A_115 = arith.extui %bitcast_convert_type3A_112 : vector<256x384xi16> to vector<256x384xi32>
      %convert_element_type3A_116 = arith.extui %bitcast_convert_type3A_114 : vector<256x384xi16> to vector<256x384xi32>
      %shift_left3A_117 = arith.constant 16 : i32
      %shift_left3A_118 = vector.broadcast %shift_left3A_117 : i32 to vector<256x384xi32>
      %shift_left3A_119 = arith.shli %convert_element_type3A_116, %shift_left3A_118 : vector<256x384xi32>
      %or3A = arith.ori %convert_element_type3A_115, %shift_left3A_119 : vector<256x384xi32>
      %bitcast_convert_type3A_120 = tpu.bitcast %or3A : vector<256x384xi32> -> vector<256x384xi32>
      %swap3A = arith.constant 0 : index
      %swap3A_121 = arith.constant 0 : index
      %swap3A_122 = vector.load %arg9[%swap3A, %swap3A_121] : memref<256x384xi32, #tpu.memory_space<vmem>>, vector<256x384xi32>
      tpu.vector_store %arg9[%swap3A, %swap3A_121], %bitcast_convert_type3A_120 {strides = array<i32>} : memref<256x384xi32, #tpu.memory_space<vmem>>, vector<256x384xi32>,
    } else {
    }
    return
  }
  func.func @transform_0(%arg0: i32, %arg1: memref<64x8xi32, #tpu.memory_space<smem>>) -> (i32, i32) {
    %c0_i32 = arith.constant 0 : i32
    %c0_i32_0 = arith.constant 0 : i32
    return %arg0, %c0_i32 : i32, i32
  }
  func.func @transform_4(%arg0: i32, %arg1: memref<64x8xi32, #tpu.memory_space<smem>>) -> (i32, i32, i32) {
    %get3A = arith.index_cast %arg0 : i32 to index
    %get3A_0 = arith.constant 0 : index
    %get3A_1 = memref.load %arg1[%get3A, %get3A_0] : memref<64x8xi32, #tpu.memory_space<smem>>
    %c0_i32 = arith.constant 0 : i32
    %c0_i32_2 = arith.constant 0 : i32
    %c0_i32_3 = arith.constant 0 : i32
    return %get3A_1, %c0_i32, %c0_i32_2 : i32, i32, i32
  }
  func.func @transform_5(%arg0: i32, %arg1: memref<64x8xi32, #tpu.memory_space<smem>>) -> (i32, i32, i32) {
    %get3A = arith.index_cast %arg0 : i32 to index
    %get3A_0 = arith.constant 0 : index
    %get3A_1 = memref.load %arg1[%get3A, %get3A_0] : memref<64x8xi32, #tpu.memory_space<smem>>
    %c0_i32 = arith.constant 0 : i32
    %c0_i32_2 = arith.constant 0 : i32
    %c0_i32_3 = arith.constant 0 : i32
    return %get3A_1, %c0_i32, %c0_i32_2 : i32, i32, i32
  }
  func.func @transform_6(%arg0: i32, %arg1: memref<64x8xi32, #tpu.memory_space<smem>>) -> (i32, i32, i32) {
    %get3A = arith.index_cast %arg0 : i32 to index
    %get3A_0 = arith.constant 0 : index
    %get3A_1 = memref.load %arg1[%get3A, %get3A_0] : memref<64x8xi32, #tpu.memory_space<smem>>
    %c0_i32 = arith.constant 0 : i32
    %c0_i32_2 = arith.constant 0 : i32
    %c0_i32_3 = arith.constant 0 : i32
    return %get3A_1, %c0_i32, %c0_i32_2 : i32, i32, i32
  }
  func.func @transform_7(%arg0: i32, %arg1: memref<64x8xi32, #tpu.memory_space<smem>>) -> (i32, i32) {
    %c0_i32 = arith.constant 0 : i32
    %c0_i32_0 = arith.constant 0 : i32
    return %arg0, %c0_i32 : i32, i32
  }
}

module attributes {stable_mosaic.version = 14 : i64} {
  func.func @_router_body(%arg0: memref<1x2048x768xf32, #tpu.memory_space<vmem>>, %arg1: memref<768x8xf32, #tpu.memory_space<vmem>>, %arg2: memref<1x8xf32, #tpu.memory_space<vmem>>, %arg3: memref<2048x2xf32, #tpu.memory_space<vmem>>, %arg4: memref<2048x384xi32, #tpu.memory_space<vmem>>, %arg5: memref<2x2048xi32, #tpu.memory_space<vmem>>, %arg6: memref<64x8xi32, #tpu.memory_space<vmem>>, %arg7: memref<1x1xf32, #tpu.memory_space<smem>>) attributes {dimension_semantics = [], scalar_prefetch = 0 : i64, scratch_operands = 0 : i64, tpu.core_type = #tpu.core_type<tc>} {
    %get3A = arith.constant 0 : index
    %get3A_0 = arith.constant 0 : index
    %get3A_1 = arith.constant 0 : index
    %get3A_2 = vector.load %arg0[%get3A, %get3A_0, %get3A_1] : memref<1x2048x768xf32, #tpu.memory_space<vmem>>, vector<1x2048x768xf32>
    %get3A_3 = vector.shape_cast %get3A_2 : vector<1x2048x768xf32> to vector<2048x768xf32>
    %slice3A = vector.extract_strided_slice %get3A_3 {offsets = [0, 0], sizes = [2048, 384], strides = [1, 1]} : vector<2048x768xf32> to vector<2048x384xf32>
    %slice3A_4 = vector.extract_strided_slice %get3A_3 {offsets = [0, 384], sizes = [2048, 384], strides = [1, 1]} : vector<2048x768xf32> to vector<2048x384xf32>
    %convert_element_type3A = arith.truncf %slice3A : vector<2048x384xf32> to vector<2048x384xbf16>
    %bitcast_convert_type3A = tpu.bitcast %convert_element_type3A : vector<2048x384xbf16> -> vector<2048x384xi16>
    %convert_element_type3A_5 = arith.truncf %slice3A_4 : vector<2048x384xf32> to vector<2048x384xbf16>
    %bitcast_convert_type3A_6 = tpu.bitcast %convert_element_type3A_5 : vector<2048x384xbf16> -> vector<2048x384xi16>
    %convert_element_type3A_7 = arith.extui %bitcast_convert_type3A : vector<2048x384xi16> to vector<2048x384xi32>
    %convert_element_type3A_8 = arith.extui %bitcast_convert_type3A_6 : vector<2048x384xi16> to vector<2048x384xi32>
    %shift_left3A = arith.constant 16 : i32
    %shift_left3A_9 = vector.broadcast %shift_left3A : i32 to vector<2048x384xi32>
    %shift_left3A_10 = arith.shli %convert_element_type3A_8, %shift_left3A_9 : vector<2048x384xi32>
    %or3A = arith.ori %convert_element_type3A_7, %shift_left3A_10 : vector<2048x384xi32>
    %bitcast_convert_type3A_11 = tpu.bitcast %or3A : vector<2048x384xi32> -> vector<2048x384xi32>
    %swap3A = arith.constant 0 : index
    %swap3A_12 = arith.constant 0 : index
    %swap3A_13 = vector.load %arg4[%swap3A, %swap3A_12] : memref<2048x384xi32, #tpu.memory_space<vmem>>, vector<2048x384xi32>
    tpu.vector_store %arg4[%swap3A, %swap3A_12], %bitcast_convert_type3A_11 {strides = array<i32>} : memref<2048x384xi32, #tpu.memory_space<vmem>>, vector<2048x384xi32>,
    %get3A_14 = arith.constant 0 : index
    %get3A_15 = arith.constant 0 : index
    %get3A_16 = vector.load %arg1[%get3A_14, %get3A_15] : memref<768x8xf32, #tpu.memory_space<vmem>>, vector<768x8xf32>
    %dot_general3A = arith.constant dense<0.000000e+00> : vector<2048x8xf32>
    %dot_general3A_17 = tpu.matmul %get3A_3, %get3A_16, %dot_general3A {dimension_numbers = #tpu.dot_dimension_numbers<[1], [0], [0], [1], [0, 0, 1, 1], [], []>, transpose_lhs_hint = false} : vector<2048x768xf32>, vector<768x8xf32>, vector<2048x8xf32> -> vector<2048x8xf32>
    %get3A_18 = arith.constant 0 : index
    %get3A_19 = arith.constant 0 : index
    %get3A_20 = vector.load %arg2[%get3A_18, %get3A_19] : memref<1x8xf32, #tpu.memory_space<vmem>>, vector<1x8xf32>
    %add3A = vector.broadcast %get3A_20 : vector<1x8xf32> to vector<2048x8xf32>
    %add3A_21 = arith.addf %dot_general3A_17, %add3A : vector<2048x8xf32>
    %reduce_max3A = arith.constant dense<0xFF800000> : vector<2048xf32>
    %reduce_max3A_22 = vector.multi_reduction <maximumf>, %add3A_21, %reduce_max3A [1] : vector<2048x8xf32> to vector<2048xf32>
    %broadcast_in_dim3A = vector.shape_cast %reduce_max3A_22 : vector<2048xf32> to vector<2048x1xf32>
    %sub3A = vector.broadcast %broadcast_in_dim3A : vector<2048x1xf32> to vector<2048x8xf32>
    %sub3A_23 = arith.subf %add3A_21, %sub3A : vector<2048x8xf32>
    %exp3A = math.exp %sub3A_23 : vector<2048x8xf32>
    %reduce_sum3A = arith.constant dense<0.000000e+00> : vector<2048xf32>
    %reduce_sum3A_24 = vector.multi_reduction <add>, %exp3A, %reduce_sum3A [1] : vector<2048x8xf32> to vector<2048xf32>
    %broadcast_in_dim3A_25 = vector.shape_cast %reduce_sum3A_24 : vector<2048xf32> to vector<2048x1xf32>
    %div3A = vector.broadcast %broadcast_in_dim3A_25 : vector<2048x1xf32> to vector<2048x8xf32>
    %div3A_26 = arith.divf %exp3A, %div3A : vector<2048x8xf32>
    %iota3A = tpu.iota {dimensions = array<i32: 1>} : vector<2048x8xi32>
    %convert_element_type3A_27 = arith.sitofp %iota3A : vector<2048x8xi32> to vector<2048x8xf32>
    %reduce_max3A_28 = arith.constant dense<0xFF800000> : vector<2048xf32>
    %reduce_max3A_29 = vector.multi_reduction <maximumf>, %div3A_26, %reduce_max3A_28 [1] : vector<2048x8xf32> to vector<2048xf32>
    %broadcast_in_dim3A_30 = vector.shape_cast %reduce_max3A_29 : vector<2048xf32> to vector<2048x1xf32>
    %eq3A = vector.broadcast %broadcast_in_dim3A_30 : vector<2048x1xf32> to vector<2048x8xf32>
    %eq3A_31 = arith.cmpf oeq, %div3A_26, %eq3A : vector<2048x8xf32>
    %jit3A = arith.constant 8.000000e+00 : f32
    %broadcast_in_dim3A_32 = vector.broadcast %jit3A : f32 to vector<2048x8xf32>
    %select_n3A = arith.select %eq3A_31, %convert_element_type3A_27, %broadcast_in_dim3A_32 : vector<2048x8xi1>, vector<2048x8xf32>
    %reduce_min3A = arith.constant dense<0x7F800000> : vector<2048xf32>
    %reduce_min3A_33 = vector.multi_reduction <minimumf>, %select_n3A, %reduce_min3A [1] : vector<2048x8xf32> to vector<2048xf32>
    %broadcast_in_dim3A_34 = vector.shape_cast %reduce_min3A_33 : vector<2048xf32> to vector<2048x1xf32>
    %eq3A_35 = vector.broadcast %broadcast_in_dim3A_34 : vector<2048x1xf32> to vector<2048x8xf32>
    %eq3A_36 = arith.cmpf oeq, %convert_element_type3A_27, %eq3A_35 : vector<2048x8xf32>
    %jit3A_37 = arith.constant 0xFF800000 : f32
    %broadcast_in_dim3A_38 = vector.broadcast %jit3A_37 : f32 to vector<2048x8xf32>
    %select_n3A_39 = arith.select %eq3A_36, %broadcast_in_dim3A_38, %div3A_26 : vector<2048x8xi1>, vector<2048x8xf32>
    %reduce_max3A_40 = arith.constant dense<0xFF800000> : vector<2048xf32>
    %reduce_max3A_41 = vector.multi_reduction <maximumf>, %select_n3A_39, %reduce_max3A_40 [1] : vector<2048x8xf32> to vector<2048xf32>
    %broadcast_in_dim3A_42 = vector.shape_cast %reduce_max3A_41 : vector<2048xf32> to vector<2048x1xf32>
    %eq3A_43 = vector.broadcast %broadcast_in_dim3A_42 : vector<2048x1xf32> to vector<2048x8xf32>
    %eq3A_44 = arith.cmpf oeq, %select_n3A_39, %eq3A_43 : vector<2048x8xf32>
    %jit3A_45 = arith.constant 8.000000e+00 : f32
    %broadcast_in_dim3A_46 = vector.broadcast %jit3A_45 : f32 to vector<2048x8xf32>
    %select_n3A_47 = arith.select %eq3A_44, %convert_element_type3A_27, %broadcast_in_dim3A_46 : vector<2048x8xi1>, vector<2048x8xf32>
    %reduce_min3A_48 = arith.constant dense<0x7F800000> : vector<2048xf32>
    %reduce_min3A_49 = vector.multi_reduction <minimumf>, %select_n3A_47, %reduce_min3A_48 [1] : vector<2048x8xf32> to vector<2048xf32>
    %broadcast_in_dim3A_50 = vector.shape_cast %reduce_min3A_49 : vector<2048xf32> to vector<2048x1xf32>
    %add3A_51 = arith.addf %broadcast_in_dim3A_30, %broadcast_in_dim3A_42 : vector<2048x1xf32>
    %add3A_52 = arith.constant 9.99999971E-10 : f32
    %add3A_53 = vector.broadcast %add3A_52 : f32 to vector<2048x1xf32>
    %add3A_54 = arith.addf %add3A_51, %add3A_53 : vector<2048x1xf32>
    %div3A_55 = arith.divf %broadcast_in_dim3A_30, %add3A_54 : vector<2048x1xf32>
    %div3A_56 = arith.divf %broadcast_in_dim3A_42, %add3A_54 : vector<2048x1xf32>
    %concatenate3A = tpu.concatenate %div3A_55, %div3A_56 in 1 : vector<2048x1xf32>, vector<2048x1xf32> -> vector<2048x2xf32>
    %swap3A_57 = arith.constant 0 : index
    %swap3A_58 = arith.constant 0 : index
    %swap3A_59 = vector.load %arg3[%swap3A_57, %swap3A_58] : memref<2048x2xf32, #tpu.memory_space<vmem>>, vector<2048x2xf32>
    tpu.vector_store %arg3[%swap3A_57, %swap3A_58], %concatenate3A {strides = array<i32>} : memref<2048x2xf32, #tpu.memory_space<vmem>>, vector<2048x2xf32>,
    %eq3A_60 = vector.broadcast %broadcast_in_dim3A_34 : vector<2048x1xf32> to vector<2048x8xf32>
    %eq3A_61 = arith.cmpf oeq, %convert_element_type3A_27, %eq3A_60 : vector<2048x8xf32>
    %convert_element_type3A_62 = arith.extui %eq3A_61 : vector<2048x8xi1> to vector<2048x8xi32>
    %convert_element_type3A_63 = arith.sitofp %convert_element_type3A_62 : vector<2048x8xi32> to vector<2048x8xf32>
    %eq3A_64 = vector.broadcast %broadcast_in_dim3A_50 : vector<2048x1xf32> to vector<2048x8xf32>
    %eq3A_65 = arith.cmpf oeq, %convert_element_type3A_27, %eq3A_64 : vector<2048x8xf32>
    %convert_element_type3A_66 = arith.extui %eq3A_65 : vector<2048x8xi1> to vector<2048x8xi32>
    %convert_element_type3A_67 = arith.sitofp %convert_element_type3A_66 : vector<2048x8xi32> to vector<2048x8xf32>
    %add3A_68 = arith.addf %convert_element_type3A_63, %convert_element_type3A_67 : vector<2048x8xf32>
    %reduce_sum3A_69 = arith.constant dense<0.000000e+00> : vector<8xf32>
    %reduce_sum3A_70 = vector.multi_reduction <add>, %add3A_68, %reduce_sum3A_69 [0] : vector<2048x8xf32> to vector<8xf32>
    %broadcast_in_dim3A_71 = vector.shape_cast %reduce_sum3A_70 : vector<8xf32> to vector<1x8xf32>
    %sub3A_72 = arith.constant 6.400000e+02 : f32
    %sub3A_73 = vector.broadcast %sub3A_72 : f32 to vector<1x8xf32>
    %sub3A_74 = arith.subf %broadcast_in_dim3A_71, %sub3A_73 : vector<1x8xf32>
    %max3A = arith.constant 0.000000e+00 : f32
    %max3A_75 = vector.broadcast %max3A : f32 to vector<1x8xf32>
    %max3A_76 = arith.maximumf %sub3A_74, %max3A_75 : vector<1x8xf32>
    %reduce_sum3A_77 = vector.shape_cast %max3A_76 : vector<1x8xf32> to vector<1x1x8xf32>
    %reduce_sum3A_78 = arith.constant dense<0.000000e+00> : vector<1xf32>
    %reduce_sum3A_79 = vector.multi_reduction <add>, %reduce_sum3A_77, %reduce_sum3A_78 [1, 2] : vector<1x1x8xf32> to vector<1xf32>
    %reduce_sum3A_80 = vector.shape_cast %reduce_sum3A_79 : vector<1xf32> to vector<1x1x1xf32>
    %reduce_sum3A_81 = vector.extract %reduce_sum3A_80[0, 0, 0] : f32 from vector<1x1x1xf32>
    %mul3A = arith.constant 0.00999999977 : f32
    %mul3A_82 = arith.mulf %mul3A, %reduce_sum3A_81 : f32
    %div3A_83 = arith.constant 8.000000e+00 : f32
    %div3A_84 = arith.divf %mul3A_82, %div3A_83 : f32
    %div3A_85 = arith.constant 2.048000e+03 : f32
    %div3A_86 = arith.divf %div3A_84, %div3A_85 : f32
    %swap3A_87 = arith.constant 0 : index
    %swap3A_88 = arith.constant 0 : index
    %swap3A_89 = memref.load %arg7[%swap3A_87, %swap3A_88] : memref<1x1xf32, #tpu.memory_space<smem>>
    memref.store %div3A_86, %arg7[%swap3A_87, %swap3A_88] : memref<1x1xf32, #tpu.memory_space<smem>>
    %broadcast_in_dim3A_90 = arith.constant 0.000000e+00 : f32
    %broadcast_in_dim3A_91 = vector.broadcast %broadcast_in_dim3A_90 : f32 to vector<1x8xf32>
    %slice3A_92 = vector.extract_strided_slice %add3A_68 {offsets = [0, 0], sizes = [2047, 8], strides = [1, 1]} : vector<2048x8xf32> to vector<2047x8xf32>
    %concatenate3A_93 = tpu.concatenate %broadcast_in_dim3A_91, %slice3A_92 in 0 : vector<1x8xf32>, vector<2047x8xf32> -> vector<2048x8xf32>
    %add3A_94 = arith.addf %add3A_68, %concatenate3A_93 : vector<2048x8xf32>
    %broadcast_in_dim3A_95 = arith.constant 0.000000e+00 : f32
    %broadcast_in_dim3A_96 = vector.broadcast %broadcast_in_dim3A_95 : f32 to vector<2x8xf32>
    %slice3A_97 = vector.extract_strided_slice %add3A_94 {offsets = [0, 0], sizes = [2046, 8], strides = [1, 1]} : vector<2048x8xf32> to vector<2046x8xf32>
    %concatenate3A_98 = tpu.concatenate %broadcast_in_dim3A_96, %slice3A_97 in 0 : vector<2x8xf32>, vector<2046x8xf32> -> vector<2048x8xf32>
    %add3A_99 = arith.addf %add3A_94, %concatenate3A_98 : vector<2048x8xf32>
    %broadcast_in_dim3A_100 = arith.constant 0.000000e+00 : f32
    %broadcast_in_dim3A_101 = vector.broadcast %broadcast_in_dim3A_100 : f32 to vector<4x8xf32>
    %slice3A_102 = vector.extract_strided_slice %add3A_99 {offsets = [0, 0], sizes = [2044, 8], strides = [1, 1]} : vector<2048x8xf32> to vector<2044x8xf32>
    %concatenate3A_103 = tpu.concatenate %broadcast_in_dim3A_101, %slice3A_102 in 0 : vector<4x8xf32>, vector<2044x8xf32> -> vector<2048x8xf32>
    %add3A_104 = arith.addf %add3A_99, %concatenate3A_103 : vector<2048x8xf32>
    %broadcast_in_dim3A_105 = arith.constant 0.000000e+00 : f32
    %broadcast_in_dim3A_106 = vector.broadcast %broadcast_in_dim3A_105 : f32 to vector<8x8xf32>
    %slice3A_107 = vector.extract_strided_slice %add3A_104 {offsets = [0, 0], sizes = [2040, 8], strides = [1, 1]} : vector<2048x8xf32> to vector<2040x8xf32>
    %concatenate3A_108 = tpu.concatenate %broadcast_in_dim3A_106, %slice3A_107 in 0 : vector<8x8xf32>, vector<2040x8xf32> -> vector<2048x8xf32>
    %add3A_109 = arith.addf %add3A_104, %concatenate3A_108 : vector<2048x8xf32>
    %broadcast_in_dim3A_110 = arith.constant 0.000000e+00 : f32
    %broadcast_in_dim3A_111 = vector.broadcast %broadcast_in_dim3A_110 : f32 to vector<16x8xf32>
    %slice3A_112 = vector.extract_strided_slice %add3A_109 {offsets = [0, 0], sizes = [2032, 8], strides = [1, 1]} : vector<2048x8xf32> to vector<2032x8xf32>
    %concatenate3A_113 = tpu.concatenate %broadcast_in_dim3A_111, %slice3A_112 in 0 : vector<16x8xf32>, vector<2032x8xf32> -> vector<2048x8xf32>
    %add3A_114 = arith.addf %add3A_109, %concatenate3A_113 : vector<2048x8xf32>
    %broadcast_in_dim3A_115 = arith.constant 0.000000e+00 : f32
    %broadcast_in_dim3A_116 = vector.broadcast %broadcast_in_dim3A_115 : f32 to vector<32x8xf32>
    %slice3A_117 = vector.extract_strided_slice %add3A_114 {offsets = [0, 0], sizes = [2016, 8], strides = [1, 1]} : vector<2048x8xf32> to vector<2016x8xf32>
    %concatenate3A_118 = tpu.concatenate %broadcast_in_dim3A_116, %slice3A_117 in 0 : vector<32x8xf32>, vector<2016x8xf32> -> vector<2048x8xf32>
    %add3A_119 = arith.addf %add3A_114, %concatenate3A_118 : vector<2048x8xf32>
    %broadcast_in_dim3A_120 = arith.constant 0.000000e+00 : f32
    %broadcast_in_dim3A_121 = vector.broadcast %broadcast_in_dim3A_120 : f32 to vector<64x8xf32>
    %slice3A_122 = vector.extract_strided_slice %add3A_119 {offsets = [0, 0], sizes = [1984, 8], strides = [1, 1]} : vector<2048x8xf32> to vector<1984x8xf32>
    %concatenate3A_123 = tpu.concatenate %broadcast_in_dim3A_121, %slice3A_122 in 0 : vector<64x8xf32>, vector<1984x8xf32> -> vector<2048x8xf32>
    %add3A_124 = arith.addf %add3A_119, %concatenate3A_123 : vector<2048x8xf32>
    %broadcast_in_dim3A_125 = arith.constant 0.000000e+00 : f32
    %broadcast_in_dim3A_126 = vector.broadcast %broadcast_in_dim3A_125 : f32 to vector<128x8xf32>
    %slice3A_127 = vector.extract_strided_slice %add3A_124 {offsets = [0, 0], sizes = [1920, 8], strides = [1, 1]} : vector<2048x8xf32> to vector<1920x8xf32>
    %concatenate3A_128 = tpu.concatenate %broadcast_in_dim3A_126, %slice3A_127 in 0 : vector<128x8xf32>, vector<1920x8xf32> -> vector<2048x8xf32>
    %add3A_129 = arith.addf %add3A_124, %concatenate3A_128 : vector<2048x8xf32>
    %broadcast_in_dim3A_130 = arith.constant 0.000000e+00 : f32
    %broadcast_in_dim3A_131 = vector.broadcast %broadcast_in_dim3A_130 : f32 to vector<256x8xf32>
    %slice3A_132 = vector.extract_strided_slice %add3A_129 {offsets = [0, 0], sizes = [1792, 8], strides = [1, 1]} : vector<2048x8xf32> to vector<1792x8xf32>
    %concatenate3A_133 = tpu.concatenate %broadcast_in_dim3A_131, %slice3A_132 in 0 : vector<256x8xf32>, vector<1792x8xf32> -> vector<2048x8xf32>
    %add3A_134 = arith.addf %add3A_129, %concatenate3A_133 : vector<2048x8xf32>
    %broadcast_in_dim3A_135 = arith.constant 0.000000e+00 : f32
    %broadcast_in_dim3A_136 = vector.broadcast %broadcast_in_dim3A_135 : f32 to vector<512x8xf32>
    %slice3A_137 = vector.extract_strided_slice %add3A_134 {offsets = [0, 0], sizes = [1536, 8], strides = [1, 1]} : vector<2048x8xf32> to vector<1536x8xf32>
    %concatenate3A_138 = tpu.concatenate %broadcast_in_dim3A_136, %slice3A_137 in 0 : vector<512x8xf32>, vector<1536x8xf32> -> vector<2048x8xf32>
    %add3A_139 = arith.addf %add3A_134, %concatenate3A_138 : vector<2048x8xf32>
    %broadcast_in_dim3A_140 = arith.constant 0.000000e+00 : f32
    %broadcast_in_dim3A_141 = vector.broadcast %broadcast_in_dim3A_140 : f32 to vector<1024x8xf32>
    %slice3A_142 = vector.extract_strided_slice %add3A_139 {offsets = [0, 0], sizes = [1024, 8], strides = [1, 1]} : vector<2048x8xf32> to vector<1024x8xf32>
    %concatenate3A_143 = tpu.concatenate %broadcast_in_dim3A_141, %slice3A_142 in 0 : vector<1024x8xf32>, vector<1024x8xf32> -> vector<2048x8xf32>
    %add3A_144 = arith.addf %add3A_139, %concatenate3A_143 : vector<2048x8xf32>
    %sub3A_145 = arith.subf %add3A_144, %add3A_68 : vector<2048x8xf32>
    %div3A_146 = arith.constant 2.560000e+02 : f32
    %div3A_147 = vector.broadcast %div3A_146 : f32 to vector<1x8xf32>
    %div3A_148 = arith.divf %broadcast_in_dim3A_71, %div3A_147 : vector<1x8xf32>
    %ceil3A = math.ceil %div3A_148 : vector<1x8xf32>
    %mul3A_149 = arith.constant 2.560000e+02 : f32
    %mul3A_150 = vector.broadcast %mul3A_149 : f32 to vector<1x8xf32>
    %mul3A_151 = arith.mulf %ceil3A, %mul3A_150 : vector<1x8xf32>
    %broadcast_in_dim3A_152 = arith.constant 0.000000e+00 : f32
    %broadcast_in_dim3A_153 = vector.broadcast %broadcast_in_dim3A_152 : f32 to vector<1x1xf32>
    %slice3A_154 = vector.extract_strided_slice %mul3A_151 {offsets = [0, 0], sizes = [1, 7], strides = [1, 1]} : vector<1x8xf32> to vector<1x7xf32>
    %concatenate3A_155 = tpu.concatenate %broadcast_in_dim3A_153, %slice3A_154 in 1 : vector<1x1xf32>, vector<1x7xf32> -> vector<1x8xf32>
    %add3A_156 = arith.addf %mul3A_151, %concatenate3A_155 : vector<1x8xf32>
    %broadcast_in_dim3A_157 = arith.constant 0.000000e+00 : f32
    %broadcast_in_dim3A_158 = vector.broadcast %broadcast_in_dim3A_157 : f32 to vector<1x2xf32>
    %slice3A_159 = vector.extract_strided_slice %add3A_156 {offsets = [0, 0], sizes = [1, 6], strides = [1, 1]} : vector<1x8xf32> to vector<1x6xf32>
    %concatenate3A_160 = tpu.concatenate %broadcast_in_dim3A_158, %slice3A_159 in 1 : vector<1x2xf32>, vector<1x6xf32> -> vector<1x8xf32>
    %add3A_161 = arith.addf %add3A_156, %concatenate3A_160 : vector<1x8xf32>
    %broadcast_in_dim3A_162 = arith.constant 0.000000e+00 : f32
    %broadcast_in_dim3A_163 = vector.broadcast %broadcast_in_dim3A_162 : f32 to vector<1x4xf32>
    %slice3A_164 = vector.extract_strided_slice %add3A_161 {offsets = [0, 0], sizes = [1, 4], strides = [1, 1]} : vector<1x8xf32> to vector<1x4xf32>
    %concatenate3A_165 = tpu.concatenate %broadcast_in_dim3A_163, %slice3A_164 in 1 : vector<1x4xf32>, vector<1x4xf32> -> vector<1x8xf32>
    %add3A_166 = arith.addf %add3A_161, %concatenate3A_165 : vector<1x8xf32>
    %sub3A_167 = arith.subf %add3A_166, %mul3A_151 : vector<1x8xf32>
    %mul3A_168 = vector.broadcast %sub3A_167 : vector<1x8xf32> to vector<2048x8xf32>
    %mul3A_169 = arith.mulf %convert_element_type3A_63, %mul3A_168 : vector<2048x8xf32>
    %reduce_sum3A_170 = arith.constant dense<0.000000e+00> : vector<2048xf32>
    %reduce_sum3A_171 = vector.multi_reduction <add>, %mul3A_169, %reduce_sum3A_170 [1] : vector<2048x8xf32> to vector<2048xf32>
    %broadcast_in_dim3A_172 = vector.shape_cast %reduce_sum3A_171 : vector<2048xf32> to vector<2048x1xf32>
    %mul3A_173 = arith.mulf %convert_element_type3A_63, %sub3A_145 : vector<2048x8xf32>
    %reduce_sum3A_174 = arith.constant dense<0.000000e+00> : vector<2048xf32>
    %reduce_sum3A_175 = vector.multi_reduction <add>, %mul3A_173, %reduce_sum3A_174 [1] : vector<2048x8xf32> to vector<2048xf32>
    %broadcast_in_dim3A_176 = vector.shape_cast %reduce_sum3A_175 : vector<2048xf32> to vector<2048x1xf32>
    %add3A_177 = arith.addf %broadcast_in_dim3A_172, %broadcast_in_dim3A_176 : vector<2048x1xf32>
    %mul3A_178 = vector.broadcast %sub3A_167 : vector<1x8xf32> to vector<2048x8xf32>
    %mul3A_179 = arith.mulf %convert_element_type3A_67, %mul3A_178 : vector<2048x8xf32>
    %reduce_sum3A_180 = arith.constant dense<0.000000e+00> : vector<2048xf32>
    %reduce_sum3A_181 = vector.multi_reduction <add>, %mul3A_179, %reduce_sum3A_180 [1] : vector<2048x8xf32> to vector<2048xf32>
    %broadcast_in_dim3A_182 = vector.shape_cast %reduce_sum3A_181 : vector<2048xf32> to vector<2048x1xf32>
    %mul3A_183 = arith.mulf %convert_element_type3A_67, %sub3A_145 : vector<2048x8xf32>
    %reduce_sum3A_184 = arith.constant dense<0.000000e+00> : vector<2048xf32>
    %reduce_sum3A_185 = vector.multi_reduction <add>, %mul3A_183, %reduce_sum3A_184 [1] : vector<2048x8xf32> to vector<2048xf32>
    %broadcast_in_dim3A_186 = vector.shape_cast %reduce_sum3A_185 : vector<2048xf32> to vector<2048x1xf32>
    %add3A_187 = arith.addf %broadcast_in_dim3A_182, %broadcast_in_dim3A_186 : vector<2048x1xf32>
    %concatenate3A_188 = tpu.concatenate %add3A_177, %add3A_187 in 1 : vector<2048x1xf32>, vector<2048x1xf32> -> vector<2048x2xf32>
    %convert_element_type3A_189 = arith.fptosi %concatenate3A_188 : vector<2048x2xf32> to vector<2048x2xi32>
    %transpose3A = tpu.transpose %convert_element_type3A_189, [1, 0] : vector<2048x2xi32> -> vector<2x2048xi32>
    %swap3A_190 = arith.constant 0 : index
    %swap3A_191 = arith.constant 0 : index
    %swap3A_192 = vector.load %arg5[%swap3A_190, %swap3A_191] : memref<2x2048xi32, #tpu.memory_space<vmem>>, vector<2x2048xi32>
    tpu.vector_store %arg5[%swap3A_190, %swap3A_191], %transpose3A {strides = array<i32>} : memref<2x2048xi32, #tpu.memory_space<vmem>>, vector<2x2048xi32>,
    %div3A_193 = arith.constant 2.560000e+02 : f32
    %div3A_194 = vector.broadcast %div3A_193 : f32 to vector<1x8xf32>
    %div3A_195 = arith.divf %mul3A_151, %div3A_194 : vector<1x8xf32>
    %div3A_196 = arith.constant 2.560000e+02 : f32
    %div3A_197 = vector.broadcast %div3A_196 : f32 to vector<1x8xf32>
    %div3A_198 = arith.divf %add3A_166, %div3A_197 : vector<1x8xf32>
    %reduce_sum3A_199 = vector.shape_cast %div3A_195 : vector<1x8xf32> to vector<1x1x8xf32>
    %reduce_sum3A_200 = arith.constant dense<0.000000e+00> : vector<1xf32>
    %reduce_sum3A_201 = vector.multi_reduction <add>, %reduce_sum3A_199, %reduce_sum3A_200 [1, 2] : vector<1x1x8xf32> to vector<1xf32>
    %reduce_sum3A_202 = vector.shape_cast %reduce_sum3A_201 : vector<1xf32> to vector<1x1x1xf32>
    %reduce_sum3A_203 = vector.extract %reduce_sum3A_202[0, 0, 0] : f32 from vector<1x1x1xf32>
    %iota3A_204 = tpu.iota {dimensions = array<i32: 0>} : vector<64x8xi32>
    %convert_element_type3A_205 = arith.sitofp %iota3A_204 : vector<64x8xi32> to vector<64x8xf32>
    %le3A = vector.broadcast %div3A_198 : vector<1x8xf32> to vector<64x8xf32>
    %le3A_206 = arith.cmpf ole, %le3A, %convert_element_type3A_205 : vector<64x8xf32>
    %convert_element_type3A_207 = arith.extui %le3A_206 : vector<64x8xi1> to vector<64x8xi32>
    %convert_element_type3A_208 = arith.sitofp %convert_element_type3A_207 : vector<64x8xi32> to vector<64x8xf32>
    %reduce_sum3A_209 = arith.constant dense<0.000000e+00> : vector<64xf32>
    %reduce_sum3A_210 = vector.multi_reduction <add>, %convert_element_type3A_208, %reduce_sum3A_209 [1] : vector<64x8xf32> to vector<64xf32>
    %broadcast_in_dim3A_211 = vector.shape_cast %reduce_sum3A_210 : vector<64xf32> to vector<64x1xf32>
    %iota3A_212 = tpu.iota {dimensions = array<i32: 1>} : vector<1x8xi32>
    %convert_element_type3A_213 = arith.sitofp %iota3A_212 : vector<1x8xi32> to vector<1x8xf32>
    %gt3A = arith.constant 0.000000e+00 : f32
    %gt3A_214 = vector.broadcast %gt3A : f32 to vector<1x8xf32>
    %gt3A_215 = arith.cmpf ogt, %broadcast_in_dim3A_71, %gt3A_214 : vector<1x8xf32>
    %jit3A_216 = arith.constant 0.000000e+00 : f32
    %broadcast_in_dim3A_217 = vector.broadcast %jit3A_216 : f32 to vector<1x8xf32>
    %select_n3A_218 = arith.select %gt3A_215, %convert_element_type3A_213, %broadcast_in_dim3A_217 : vector<1x8xi1>, vector<1x8xf32>
    %reduce_max3A_219 = vector.shape_cast %select_n3A_218 : vector<1x8xf32> to vector<1x1x8xf32>
    %reduce_max3A_220 = arith.constant dense<0xFF800000> : vector<1xf32>
    %reduce_max3A_221 = vector.multi_reduction <maximumf>, %reduce_max3A_219, %reduce_max3A_220 [1, 2] : vector<1x1x8xf32> to vector<1xf32>
    %reduce_max3A_222 = vector.shape_cast %reduce_max3A_221 : vector<1xf32> to vector<1x1x1xf32>
    %reduce_max3A_223 = vector.extract %reduce_max3A_222[0, 0, 0] : f32 from vector<1x1x1xf32>
    %min3A = vector.broadcast %reduce_max3A_223 : f32 to vector<64x1xf32>
    %min3A_224 = arith.minimumf %broadcast_in_dim3A_211, %min3A : vector<64x1xf32>
    %iota3A_225 = tpu.iota {dimensions = array<i32: 0>} : vector<64x1xi32>
    %convert_element_type3A_226 = arith.sitofp %iota3A_225 : vector<64x1xi32> to vector<64x1xf32>
    %lt3A = vector.broadcast %reduce_sum3A_203 : f32 to vector<64x1xf32>
    %lt3A_227 = arith.cmpf olt, %convert_element_type3A_226, %lt3A : vector<64x1xf32>
    %convert_element_type3A_228 = arith.extui %lt3A_227 : vector<64x1xi1> to vector<64x1xi32>
    %convert_element_type3A_229 = arith.sitofp %convert_element_type3A_228 : vector<64x1xi32> to vector<64x1xf32>
    %iota3A_230 = tpu.iota {dimensions = array<i32: 1>} : vector<64x8xi32>
    %convert_element_type3A_231 = arith.sitofp %iota3A_230 : vector<64x8xi32> to vector<64x8xf32>
    %gt3A_232 = arith.constant 0.000000e+00 : f32
    %gt3A_233 = vector.broadcast %gt3A_232 : f32 to vector<1x8xf32>
    %gt3A_234 = arith.cmpf ogt, %broadcast_in_dim3A_71, %gt3A_233 : vector<1x8xf32>
    %convert_element_type3A_235 = arith.extui %gt3A_234 : vector<1x8xi1> to vector<1x8xi32>
    %convert_element_type3A_236 = arith.sitofp %convert_element_type3A_235 : vector<1x8xi32> to vector<1x8xf32>
    %eq3A_237 = vector.broadcast %min3A_224 : vector<64x1xf32> to vector<64x8xf32>
    %eq3A_238 = arith.cmpf oeq, %convert_element_type3A_231, %eq3A_237 : vector<64x8xf32>
    %convert_element_type3A_239 = arith.extui %eq3A_238 : vector<64x8xi1> to vector<64x8xi32>
    %convert_element_type3A_240 = arith.sitofp %convert_element_type3A_239 : vector<64x8xi32> to vector<64x8xf32>
    %mul3A_241 = vector.broadcast %sub3A_167 : vector<1x8xf32> to vector<64x8xf32>
    %mul3A_242 = arith.mulf %convert_element_type3A_240, %mul3A_241 : vector<64x8xf32>
    %reduce_sum3A_243 = arith.constant dense<0.000000e+00> : vector<64xf32>
    %reduce_sum3A_244 = vector.multi_reduction <add>, %mul3A_242, %reduce_sum3A_243 [1] : vector<64x8xf32> to vector<64xf32>
    %broadcast_in_dim3A_245 = vector.shape_cast %reduce_sum3A_244 : vector<64xf32> to vector<64x1xf32>
    %mul3A_246 = arith.constant 2.560000e+02 : f32
    %mul3A_247 = vector.broadcast %mul3A_246 : f32 to vector<64x1xf32>
    %mul3A_248 = arith.mulf %convert_element_type3A_226, %mul3A_247 : vector<64x1xf32>
    %eq3A_249 = arith.cmpf oeq, %mul3A_248, %broadcast_in_dim3A_245 : vector<64x1xf32>
    %convert_element_type3A_250 = arith.extui %eq3A_249 : vector<64x1xi1> to vector<64x1xi32>
    %convert_element_type3A_251 = arith.sitofp %convert_element_type3A_250 : vector<64x1xi32> to vector<64x1xf32>
    %mul3A_252 = arith.mulf %convert_element_type3A_251, %convert_element_type3A_229 : vector<64x1xf32>
    %lt3A_253 = vector.broadcast %min3A_224 : vector<64x1xf32> to vector<64x8xf32>
    %lt3A_254 = arith.cmpf olt, %convert_element_type3A_231, %lt3A_253 : vector<64x8xf32>
    %convert_element_type3A_255 = arith.extui %lt3A_254 : vector<64x8xi1> to vector<64x8xi32>
    %convert_element_type3A_256 = arith.sitofp %convert_element_type3A_255 : vector<64x8xi32> to vector<64x8xf32>
    %mul3A_257 = vector.broadcast %convert_element_type3A_236 : vector<1x8xf32> to vector<64x8xf32>
    %mul3A_258 = arith.mulf %mul3A_257, %convert_element_type3A_256 : vector<64x8xf32>
    %reduce_sum3A_259 = arith.constant dense<0.000000e+00> : vector<64xf32>
    %reduce_sum3A_260 = vector.multi_reduction <add>, %mul3A_258, %reduce_sum3A_259 [1] : vector<64x8xf32> to vector<64xf32>
    %broadcast_in_dim3A_261 = vector.shape_cast %reduce_sum3A_260 : vector<64xf32> to vector<64x1xf32>
    %div3A_262 = arith.constant 2.000000e+00 : f32
    %div3A_263 = vector.broadcast %div3A_262 : f32 to vector<64x1xf32>
    %div3A_264 = arith.divf %broadcast_in_dim3A_261, %div3A_263 : vector<64x1xf32>
    %floor3A = math.floor %div3A_264 : vector<64x1xf32>
    %mul3A_265 = arith.constant 2.000000e+00 : f32
    %mul3A_266 = vector.broadcast %mul3A_265 : f32 to vector<64x1xf32>
    %mul3A_267 = arith.mulf %mul3A_266, %floor3A : vector<64x1xf32>
    %sub3A_268 = arith.subf %broadcast_in_dim3A_261, %mul3A_267 : vector<64x1xf32>
    %gt3A_269 = arith.constant 0.000000e+00 : f32
    %gt3A_270 = vector.broadcast %gt3A_269 : f32 to vector<1x8xf32>
    %gt3A_271 = arith.cmpf ogt, %convert_element_type3A_236, %gt3A_270 : vector<1x8xf32>
    %gt3A_272 = vector.broadcast %min3A_224 : vector<64x1xf32> to vector<64x8xf32>
    %gt3A_273 = arith.cmpf ogt, %convert_element_type3A_231, %gt3A_272 : vector<64x8xf32>
    %and3A = vector.broadcast %gt3A_271 : vector<1x8xi1> to vector<64x8xi1>
    %and3A_274 = arith.andi %and3A, %gt3A_273 : vector<64x8xi1>
    %jit3A_275 = arith.constant 9.900000e+01 : f32
    %broadcast_in_dim3A_276 = vector.broadcast %jit3A_275 : f32 to vector<64x8xf32>
    %select_n3A_277 = arith.select %and3A_274, %convert_element_type3A_231, %broadcast_in_dim3A_276 : vector<64x8xi1>, vector<64x8xf32>
    %reduce_min3A_278 = arith.constant dense<0x7F800000> : vector<64xf32>
    %reduce_min3A_279 = vector.multi_reduction <minimumf>, %select_n3A_277, %reduce_min3A_278 [1] : vector<64x8xf32> to vector<64xf32>
    %broadcast_in_dim3A_280 = vector.shape_cast %reduce_min3A_279 : vector<64xf32> to vector<64x1xf32>
    %lt3A_281 = arith.constant 9.900000e+01 : f32
    %lt3A_282 = vector.broadcast %lt3A_281 : f32 to vector<64x1xf32>
    %lt3A_283 = arith.cmpf olt, %broadcast_in_dim3A_280, %lt3A_282 : vector<64x1xf32>
    %convert_element_type3A_284 = arith.extui %lt3A_283 : vector<64x1xi1> to vector<64x1xi32>
    %convert_element_type3A_285 = arith.sitofp %convert_element_type3A_284 : vector<64x1xi32> to vector<64x1xf32>
    %mul3A_286 = arith.mulf %convert_element_type3A_285, %convert_element_type3A_229 : vector<64x1xf32>
    %min3A_287 = vector.broadcast %reduce_max3A_223 : f32 to vector<64x1xf32>
    %min3A_288 = arith.minimumf %broadcast_in_dim3A_280, %min3A_287 : vector<64x1xf32>
    %broadcast_in_dim3A_289 = arith.constant 0.000000e+00 : f32
    %broadcast_in_dim3A_290 = vector.broadcast %broadcast_in_dim3A_289 : f32 to vector<64x2xf32>
    %concatenate3A_291 = tpu.concatenate %min3A_224, %convert_element_type3A_229, %mul3A_252, %sub3A_268, %min3A_288, %mul3A_286, %broadcast_in_dim3A_290 in 1 : vector<64x1xf32>, vector<64x1xf32>, vector<64x1xf32>, vector<64x1xf32>, vector<64x1xf32>, vector<64x1xf32>, vector<64x2xf32> -> vector<64x8xf32>
    %convert_element_type3A_292 = arith.fptosi %concatenate3A_291 : vector<64x8xf32> to vector<64x8xi32>
    %swap3A_293 = arith.constant 0 : index
    %swap3A_294 = arith.constant 0 : index
    %swap3A_295 = vector.load %arg6[%swap3A_293, %swap3A_294] : memref<64x8xi32, #tpu.memory_space<vmem>>, vector<64x8xi32>
    tpu.vector_store %arg6[%swap3A_293, %swap3A_294], %convert_element_type3A_292 {strides = array<i32>} : memref<64x8xi32, #tpu.memory_space<vmem>>, vector<64x8xi32>,
    return
  }
}

module attributes {stable_mosaic.version = 14 : i64} {
  func.func @_combine_body(%arg0: i32, %arg1: memref<1024x384xi32, #tpu.memory_space<vmem>>, %arg2: memref<1024x384xi32, #tpu.memory_space<vmem>>, %arg3: memref<1024x2xf32, #tpu.memory_space<vmem>>, %arg4: memref<1x1024x768xf32, #tpu.memory_space<vmem>>) attributes {dimension_semantics = [#tpu.dimension_semantics<arbitrary>], iteration_bounds = array<i64: 2>, scalar_prefetch = 0 : i64, scratch_operands = 0 : i64, tpu.core_type = #tpu.core_type<tc>, window_params = [{transform_indices = @transform_0, window_bounds = array<i64: 1024, 384>}, {transform_indices = @transform_1, window_bounds = array<i64: 1024, 384>}, {transform_indices = @transform_2, window_bounds = array<i64: 1024, 2>}, {transform_indices = @transform_3, window_bounds = array<i64: 1, 1024, 768>}]} {
    %get3A = arith.constant 0 : index
    %get3A_0 = arith.constant 0 : index
    %get3A_1 = vector.load %arg1[%get3A, %get3A_0] : memref<1024x384xi32, #tpu.memory_space<vmem>>, vector<1024x384xi32>
    %bitcast_convert_type3A = tpu.bitcast %get3A_1 : vector<1024x384xi32> -> vector<1024x384xi32>
    %shift_left3A = arith.constant 16 : i32
    %shift_left3A_2 = vector.broadcast %shift_left3A : i32 to vector<1024x384xi32>
    %shift_left3A_3 = arith.shli %bitcast_convert_type3A, %shift_left3A_2 : vector<1024x384xi32>
    %bitcast_convert_type3A_4 = tpu.bitcast %shift_left3A_3 : vector<1024x384xi32> -> vector<1024x384xf32>
    %and3A = arith.constant -65536 : i32
    %and3A_5 = vector.broadcast %and3A : i32 to vector<1024x384xi32>
    %and3A_6 = arith.andi %bitcast_convert_type3A, %and3A_5 : vector<1024x384xi32>
    %bitcast_convert_type3A_7 = tpu.bitcast %and3A_6 : vector<1024x384xi32> -> vector<1024x384xf32>
    %get3A_8 = arith.constant 0 : index
    %get3A_9 = arith.constant 0 : index
    %get3A_10 = vector.load %arg2[%get3A_8, %get3A_9] : memref<1024x384xi32, #tpu.memory_space<vmem>>, vector<1024x384xi32>
    %bitcast_convert_type3A_11 = tpu.bitcast %get3A_10 : vector<1024x384xi32> -> vector<1024x384xi32>
    %shift_left3A_12 = arith.constant 16 : i32
    %shift_left3A_13 = vector.broadcast %shift_left3A_12 : i32 to vector<1024x384xi32>
    %shift_left3A_14 = arith.shli %bitcast_convert_type3A_11, %shift_left3A_13 : vector<1024x384xi32>
    %bitcast_convert_type3A_15 = tpu.bitcast %shift_left3A_14 : vector<1024x384xi32> -> vector<1024x384xf32>
    %and3A_16 = arith.constant -65536 : i32
    %and3A_17 = vector.broadcast %and3A_16 : i32 to vector<1024x384xi32>
    %and3A_18 = arith.andi %bitcast_convert_type3A_11, %and3A_17 : vector<1024x384xi32>
    %bitcast_convert_type3A_19 = tpu.bitcast %and3A_18 : vector<1024x384xi32> -> vector<1024x384xf32>
    %get3A_20 = arith.constant 0 : index
    %get3A_21 = arith.constant 0 : index
    %get3A_22 = vector.load %arg3[%get3A_20, %get3A_21] : memref<1024x2xf32, #tpu.memory_space<vmem>>, vector<1024x1xf32>
    %get3A_23 = arith.constant 0 : index
    %get3A_24 = arith.constant 1 : index
    %get3A_25 = vector.load %arg3[%get3A_23, %get3A_24] : memref<1024x2xf32, #tpu.memory_space<vmem>>, vector<1024x1xf32>
    %mul3A = vector.broadcast %get3A_22 : vector<1024x1xf32> to vector<1024x384xf32>
    %mul3A_26 = arith.mulf %bitcast_convert_type3A_4, %mul3A : vector<1024x384xf32>
    %mul3A_27 = vector.broadcast %get3A_25 : vector<1024x1xf32> to vector<1024x384xf32>
    %mul3A_28 = arith.mulf %bitcast_convert_type3A_15, %mul3A_27 : vector<1024x384xf32>
    %add3A = arith.addf %mul3A_26, %mul3A_28 : vector<1024x384xf32>
    %mul3A_29 = vector.broadcast %get3A_22 : vector<1024x1xf32> to vector<1024x384xf32>
    %mul3A_30 = arith.mulf %bitcast_convert_type3A_7, %mul3A_29 : vector<1024x384xf32>
    %mul3A_31 = vector.broadcast %get3A_25 : vector<1024x1xf32> to vector<1024x384xf32>
    %mul3A_32 = arith.mulf %bitcast_convert_type3A_19, %mul3A_31 : vector<1024x384xf32>
    %add3A_33 = arith.addf %mul3A_30, %mul3A_32 : vector<1024x384xf32>
    %concatenate3A = tpu.concatenate %add3A, %add3A_33 in 1 : vector<1024x384xf32>, vector<1024x384xf32> -> vector<1024x768xf32>
    %swap3A = arith.constant 0 : index
    %swap3A_34 = arith.constant 0 : index
    %swap3A_35 = arith.constant 0 : index
    %swap3A_36 = vector.load %arg4[%swap3A, %swap3A_34, %swap3A_35] : memref<1x1024x768xf32, #tpu.memory_space<vmem>>, vector<1x1024x768xf32>
    %swap3A_37 = vector.shape_cast %swap3A_36 : vector<1x1024x768xf32> to vector<1024x768xf32>
    %swap3A_38 = vector.shape_cast %concatenate3A : vector<1024x768xf32> to vector<1x1024x768xf32>
    tpu.vector_store %arg4[%swap3A, %swap3A_34, %swap3A_35], %swap3A_38 {strides = array<i32>} : memref<1x1024x768xf32, #tpu.memory_space<vmem>>, vector<1x1024x768xf32>,
    return
  }
  func.func @transform_0(%arg0: i32) -> (i32, i32) {
    %c0_i32 = arith.constant 0 : i32
    %c0_i32_0 = arith.constant 0 : i32
    return %arg0, %c0_i32 : i32, i32
  }
  func.func @transform_1(%arg0: i32) -> (i32, i32) {
    %c0_i32 = arith.constant 0 : i32
    %c0_i32_0 = arith.constant 0 : i32
    return %arg0, %c0_i32 : i32, i32
  }
  func.func @transform_2(%arg0: i32) -> (i32, i32) {
    %c0_i32 = arith.constant 0 : i32
    %c0_i32_0 = arith.constant 0 : i32
    return %arg0, %c0_i32 : i32, i32
  }
  func.func @transform_3(%arg0: i32) -> (i32, i32, i32) {
    %c0_i32 = arith.constant 0 : i32
    %c0_i32_0 = arith.constant 0 : i32
    %c0_i32_1 = arith.constant 0 : i32
    return %c0_i32, %arg0, %c0_i32_0 : i32, i32, i32
  }
}

</mosaic_0001>

<sc_bundles>
// kernel: kernel.10.cloned.1.call-start
scs
__scs_entry_jumppad:
0x0: {  	(pc) =	sbr.rel $0x88, $3  }
0x1: {  	(tag) =	ssettag $0x0;
	lr =	simm.s32 $0x1  }
0x2: {  	[smem:$0x3F98] =	sst lr;
	_ =	strace $0xD0000000  }
0x3: {  	_ = 	snop  }
0x4: {  	_ = 	snop  }
0x5: {  	_ = 	snop  }
0x6: {  	_ = 	snop  }
0x7: {  	_ = 	snop  }
__scs_overlays_trampoline_lowered:
0x8: {  	[smem:$0x3FA7] =	sst s0  }
0x9: {  	[smem:$0x3FA8] =	sst s1  }
0xa: {  	[smem:$0x3FA9] =	sst s2  }
0xb: {  	[smem:$0x3FAA] =	sst s3  }
0xc: {  	[smem:$0x3FAB] =	sst s4  }
0xd: {  	[smem:$0x3FAC] =	sst s5  }
0xe: {  	[smem:$0x3FAD] =	sst s6  }
0xf: {  	[smem:$0x3FAE] =	sst s7  }
0x10: {  	[smem:$0x3FAF] =	sst s8  }
0x11: {  	[smem:$0x3FB0] =	sst s9;
	s0 =	simm.s32 @!p0 $0x0  }
0x12: {  	s1 =	sld [smem:$0x3F96];
	s0 =	simm.s32 @p0 $0x1  }
0x13: {  	[smem:$0x3FB1] =	sst s0;
	s0 =	simm.s32 @!p1 $0x0  }
0x14: {  	s2 =	sld [smem:$0x3F95];
	s0 =	simm.s32 @p1 $0x1  }
0x15: {  	[smem:$0x3FB2] =	sst s0;
	s0 =	simm.s32 @!p2 $0x0  }
0x16: {  	s3 =	sld [smem:$0x3FDB];
	s0 =	simm.s32 @p2 $0x1  }
0x17: {  	s4 =	simm.s32 $0x1BF5;
	[smem:$0x3FB4] =	sst s0  }
0x18: {  	s0 =	sld [smem:$0x3F97];
	_ =	swait.ge [sflag:s4], $0x0  }
0x19: {  	s7 =	sld [smem:$0x3F98]  }
0x1a: {  	s8 =	sadd.s32 $0xFFFFE003, lr  }
0x1b: {  	s9 =	sadd.s32 $0xFFFFFEF7, lr;
	s5 =	simm.s32 $0xFFFFFFFF;
	p2 =	slt.u32 s8, $0xFFFFF086  }
0x1c: {  	p1 =	slt.u32 s9, $0xF7A;
	s5 =	simm.s32 @!p2 $0x0  }
0x1d: {  	s5 =	simm.s32 @p1 $0x1;
	p0 =	seq.s32 s7, s2  }
0x1e: {  	s7 =	smul.u32 @!p0 $0xF7A, s2;
	p2 =	seq.s32 @!p0 s5, $0x0  }
0x1f: {  	s9 =	smul.u32 $0xF7A, s1;
	s8 =	simm.s32 @!p0 $0x1BF5;
	p2 =	por !p2, p0  }
0x20: {  	[sflag:s8] =	ssyncset.s32 @!p0 $0xFFFFF086;
	s6 =	sadd.s32 @!p0 s3, s7;
	s7 =	simm.s32 @!p0 $0x108  }
0x21: {  	s3 =	sadd.s32 s3, s9;
	s6 =	sadd.s32 @!p0 $0x88, s6;
	s7 =	simm.s32 @p2 $0x1082  }
0x22: {  	[simem:s7], [sflag:s8] =	dma.local @!p0 [hbm:s6], $0xF7A  }
0x23: {  	s9 =	sor.u32 $0xD0000000, s2;
	s6 =	simm.s32 $0x108;
	_ =	swait.ge @!p0 [sflag:s8], $0x0  }
0x24: {  	s3 =	sadd.s32 $0x88, s3;
	s6 =	simm.s32 @!p1 $0x1082;
	[sflag:s4] =	ssyncset.s32 $0xFFFFF086  }
0x25: {  	[simem:s6], [sflag:s4] =	dma.local [hbm:s3], $0xF7A  }
0x26: {  	[smem:$0x3F98] =	sst s1;
	(tag) =	ssettag s2;
	_ =	strace s9  }
0x27: {  	s1 =	sld [smem:$0x3FA8]  }
0x28: {  	s2 =	sld [smem:$0x3FA9]  }
0x29: {  	s4 =	sld [smem:$0x3FAB]  }
0x2a: {  	p0 =	seq.s32 s5, $0x0;
	s5 =	sld [smem:$0x3FAC]  }
0x2b: {  	s6 =	sld [smem:$0x3FAD]  }
0x2c: {  	s7 =	sld [smem:$0x3FAE]  }
0x2d: {  	s3 =	simm.s32 $0x108;
	s8 =	sld [smem:$0x3FAF]  }
0x2e: {  	s3 =	simm.s32 @!p0 $0x1082;
	s9 =	sld [smem:$0x3FB0]  }
0x2f: {  	lr =	sadd.s32 s0, s3;
	s0 =	sld [smem:$0x3FA7]  }
0x30: {  	s3 =	sld [smem:$0x3FAA]  }
0x31: {  	[smem:$0x3FB3] =	sst s10  }
0x32: {  	s10 =	sld [smem:$0x3FB1];
	_ =	sdelay $0x3  }
0x33: {  	p0 =	seq.s32 s10, $0x1;
	s10 =	sld [smem:$0x3FB3];
	_ =	sdelay $0x3  }
0x34: {  	[smem:$0x3FB3] =	sst s10  }
0x35: {  	s10 =	sld [smem:$0x3FB2];
	_ =	sdelay $0x3  }
0x36: {  	p1 =	seq.s32 s10, $0x1;
	s10 =	sld [smem:$0x3FB3];
	_ =	sdelay $0x3  }
0x37: {  	[smem:$0x3FB3] =	sst s10  }
0x38: {  	s10 =	sld [smem:$0x3FB4]  }
0x39: {  	_ = 	snop;
	(pc) =	sbr.ind lr, $3  }
0x3a: {  	_ = 	snop  }
0x3b: {  	_ = 	snop  }
0x3c: {  	p2 =	seq.s32 s10, $0x1;
	s10 =	sld [smem:$0x3FB3]  }
0x3d: {  	_ =	shalt  }
0x3e: {  	_ =	shalt  }
0x3f: {  	_ =	shalt  }
0x40: {  	_ =	shalt  }
0x41: {  	_ =	shalt  }
0x42: {  	_ =	shalt  }
0x43: {  	_ =	shalt  }
0x44: {  	_ =	shalt  }
0x45: {  	_ =	shalt  }
0x46: {  	_ =	shalt  }
0x47: {  	_ =	shalt  }
0x48: {  	_ =	shalt  }
0x49: {  	_ =	shalt  }
0x4a: {  	_ =	shalt  }
0x4b: {  	_ =	shalt  }
0x4c: {  	_ =	shalt  }
0x4d: {  	_ =	shalt  }
0x4e: {  	_ =	shalt  }
0x4f: {  	_ =	shalt  }
0x50: {  	_ =	shalt  }
0x51: {  	_ =	shalt  }
0x52: {  	_ =	shalt  }
0x53: {  	_ =	shalt  }
0x54: {  	_ =	shalt  }
0x55: {  	_ =	shalt  }
0x56: {  	_ =	shalt  }
0x57: {  	_ =	shalt  }
0x58: {  	_ =	shalt  }
0x59: {  	_ =	shalt  }
0x5a: {  	_ =	shalt  }
0x5b: {  	_ =	shalt  }
0x5c: {  	_ =	shalt  }
0x5d: {  	_ =	shalt  }
0x5e: {  	_ =	shalt  }
0x5f: {  	_ =	shalt  }
0x60: {  	_ =	shalt  }
0x61: {  	_ =	shalt  }
0x62: {  	_ =	shalt  }
0x63: {  	_ =	shalt  }
0x64: {  	_ =	shalt  }
0x65: {  	_ =	shalt  }
0x66: {  	_ =	shalt  }
0x67: {  	_ =	shalt  }
0x68: {  	_ =	shalt  }
0x69: {  	_ =	shalt  }
0x6a: {  	_ =	shalt  }
0x6b: {  	_ =	shalt  }
0x6c: {  	_ =	shalt  }
0x6d: {  	_ =	shalt  }
0x6e: {  	_ =	shalt  }
0x6f: {  	_ =	shalt  }
0x70: {  	_ =	shalt  }
0x71: {  	_ =	shalt  }
0x72: {  	_ =	shalt  }
0x73: {  	_ =	shalt  }
0x74: {  	_ =	shalt  }
0x75: {  	_ =	shalt  }
0x76: {  	_ =	shalt  }
0x77: {  	_ =	shalt  }
0x78: {  	_ =	shalt  }
0x79: {  	_ =	shalt  }
0x7a: {  	_ =	shalt  }
0x7b: {  	_ =	shalt  }
0x7c: {  	_ =	shalt  }
0x7d: {  	_ =	shalt  }
0x7e: {  	_ =	shalt  }
0x7f: {  	_ =	shalt  }
0x80: {  	_ =	shalt  }
0x81: {  	_ =	shalt  }
0x82: {  	_ =	shalt  }
0x83: {  	_ =	shalt  }
0x84: {  	_ =	shalt  }
0x85: {  	_ =	shalt  }
0x86: {  	_ =	shalt  }
0x87: {  	_ =	shalt  }
.Lfunc_end0:
.L_simem_size_0:
called_computation.1_lowered:
.L_overlay_start_0:
0x88: {  	s2 =	sld [smem:$0x3FD9]  }
0x89: {  	s3 =	sld [smem:$0x3FFE];
	_ =	sdelay $0x1  }
0x8a: {  	s1 =	srdreg.scid  }
0x8b: {  	s0 =	sand.u32 $0x1, s1  }
0x8c: {  	s14 =	sshll.u32 s0, $0xA;
	s2 =	sadd.s32 s3, s2  }
0x8d: {  	s2 =	sadd.s32 s2, s14  }
0x8e: {  	[smem:$0x3FBF] =	sst s2  }
0x8f: {  	_ = 	snop  }
0x90: {  	s2 =	sld [smem:$0x3FD0];
	_ =	sdelay $0x2  }
0x91: {  	s15 =	simm.s32 $0xA;
	s4 =	simm.s32 $0x10  }
0x92: {  	[smem:s4], [sflag:s15] =	dma.local [hbm:s2], $0x1  }
0x93: {  	_ =	swait.eq [sflag:s15], $0x1  }
0x94: {  	[sflag:s15] =	ssyncset.done $0x0  }
0x95: {  	[sflag:s15] =	ssyncadd.s32 $0xFFFFFFFF  }
0x96: {  	s16 =	sld [smem:$0x10];
	(tm) =	ssettm $0x1  }
0x97: {  	s17 =	sld [smem:$0x3FFB];
	_ =	sdelay $0x3  }
0x98: {  	_ =	strace s17  }
0x99: {  	s3 =	sld [smem:$0x3FFC];
	_ =	sdelay $0x3  }
0x9a: {  	_ =	strace s3  }
0x9b: {  	s3 =	sld [smem:$0x3FFD];
	_ =	sdelay $0x3  }
0x9c: {  	_ =	strace s3  }
0x9d: {  	_ =	strace $0x8FFFFFFF  }
0x9e: {  	s18 =	sld [smem:$0x3FDB];
	_ =	sdelay $0x1  }
0x9f: {  	s19 =	simm.s32 $_scs_section_size  }
0xa0: {  	s5 =	simm.s32 $_size__tile_overlayer_lowered;
	s6 =	simm.s32 $_tile_overlayer_lowered  }
0xa1: {  	s22 =	simm.s32 $0x1BFF;
	s21 =	sshll.u32 s6, $0x1;
	s3 =	sadd.s32 s19, s18  }
0xa2: {  	s7 =	simm.s32 $0x0;
	s20 =	sshll.u32 s5, $0x1;
	s5 =	sadd.s32 s21, s3  }
0xa3: {  	[timem:s7], [sflag:s22] =	dma.local [hbm:s5], s20  }
0xa4: {  	_ =	swait.ge [sflag:s22], s20  }
0xa5: {  	s4 =	ssub.s32 $0x0, s20;
	[sflag:s22] =	ssyncset.done $0x0  }
0xa6: {  	[sflag:s22] =	ssyncadd.s32 s4;
	_ =	sdelay $0x1  }
0xa7: {  	s23 =	simm.s32 $0x1B8B  }
0xa8: {  	_ =	swait.ge [sflag:s23], $0x1  }
0xa9: {  	[sflag:s23] =	ssyncset.done $0x0  }
0xaa: {  	s25 =	simm.s32 $0x1B8E;
	s24 =	sld [smem:$0x3FFE];
	[sflag:s23] =	ssyncadd.s32 $0xFFFFFFFF  }
0xab: {  	s26 =	simm.s32 $execute0_lowered;
	[smem:$0x3FD2] =	sst s25  }
0xac: {  	s5 =	sshll.u32 s26, $0x1;
	_ =	strace $0x80000049;
	[dreg:$0x1] =	wrdreg $0xFFFFFFFF  }
0xad: {  	s28 =	simm.s32 $_size_execute0_lowered;
	s3 =	sadd.s32 s3, s5;
	[dreg:$0x0] =	wrdreg $0x0  }
0xae: {  	s5 =	sshll.u32 s28, $0x1;
	[dreg:$0x2] =	wrdreg s3  }
0xaf: {  	[dreg:$0x3] =	wrdreg s5  }
0xb0: {  	[dreg:$0x4] =	wrdreg $0xC0  }
0xb1: {  	_ =	task [dreg:s7], $0x5FFFF  }
0xb2: {  	[dreg:$0x1] =	wrdreg $0xFFFFFFFF  }
0xb3: {  	[dreg:$0x0] =	wrdreg $0x60  }
0xb4: {  	[dreg:$0x2] =	wrdreg s24  }
0xb5: {  	[dreg:$0x3] =	wrdreg s16  }
0xb6: {  	[dreg:$0x4] =	wrdreg $0x9  }
0xb7: {  	_ =	task.clear_ibuf [dreg:s7], $0x5FFFF;
	_ =	strace $0x90000049  }
0xb8: {  	s29 =	simm.s32 $0x9;
	_ =	strace $0x8000004B  }
0xb9: {  	_ =	swait.ge [sflag:s29], $0x1  }
0xba: {  	[sflag:s29] =	ssyncadd.s32 $0xFFFFFFFF  }
0xbb: {  	_ =	strace $0x9000004B  }
0xbc: {  	_ =	sfence  }
0xbd: {  	s30 =	sld [smem:$0x0];
	_ =	sdelay $0x2  }
0xbe: {  	s31 =	sshll.u32 s1, $0xD;
	s1 =	sshrl.u32 s1, $0x2  }
0xbf: {  	s3 =	sand.u32 $0x4000, s31;
	s1 =	sadd.s32 s1, s30  }
0xc0: {  	s0 =	sor.u32 s3, s0;
	s1 =	sshll.u32 s1, $0x11  }
0xc1: {  	s0 =	sor.u32 s1, s0  }
0xc2: {  	s0 =	sadd.s32 $0x8F2B, s0  }
0xc3: {  	[sflag:s0] =	ssyncadd.remote.s32 $0x1  }
0xc4: {  	_ =	sfence.sel $0xFFFF  }
0xc5: {  	[dreg:$0x0] =	wrdreg $0xFFFFFFFF;
	(pc) =	sbr.abs _section_cstart, $3  }
0xc6: {  	[dreg:$0x1] =	wrdreg $0xFFFFFFFF  }
0xc7: {  	_ =	task.clear_ibuf [dreg:s7], $0x2FFFF;
	_ =	strace $0x9FFFFFFF  }
0xc8: {  	(tm) =	ssettm $0x7FFFFFFF  }
0xc9: {  	_ =	shalt  }
tec
execute0_lowered:
.L_overlay_start_1:
0x0: {  	(tag) =	ssettag $0x1  }
0x1: {  	s1 =	srdreg.scid;
	s4 =	rddreg [dreg:$0x0]  }
0x2: {  	s0 =	stileid.u32;
	s3 =	rddreg [dreg:$0x1]  }
0x3: {  	s2 =	simm.s32 $0x0;
	s17 =	simm.s32 $0xC000;
	s18 =	simm.s32 $0xC080  }
0x4: {  	s19 =	simm.s32 $0x800;
	s20 =	simm.s32 $0xC00;
	s21 =	simm.s32 $0x1400  }
0x5: {  	s23 =	simm.s32 $0x1800;
	s24 =	simm.s32 $0x2000;
	[smem:$0x7FF] =	sst s2  }
0x6: {  	s25 =	simm.s32 $0x2400;
	_ =	strace $0x8000004A;
	[dreg:$0x7] =	wrdreg s17  }
0x7: {  	s26 =	simm.s32 $0x2C00;
	s10 =	simm.s32 $0x4400;
	[dreg:$0x8] =	wrdreg s18  }
0x8: {  	s11 =	simm.s32 $0x4800;
	s12 =	simm.s32 $0x5000;
	[dreg:$0x9] =	wrdreg s19  }
0x9: {  	s13 =	simm.s32 $0x5400;
	s28 =	simm.s32 $0xA400;
	[dreg:$0xa] =	wrdreg s20  }
0xa: {  	s29 =	simm.s32 $0xA800;
	s30 =	simm.s32 $0xB000;
	[dreg:$0xb] =	wrdreg s21  }
0xb: {  	s31 =	simm.s32 $0xB400;
	s1 =	sand.u32 $0x1, s1;
	[dreg:$0xc] =	wrdreg s23  }
0xc: {  	s5 =	sshll.u32 s0, $0x7;
	s9 =	sadd.s32 $0x2400, s4;
	[dreg:$0xd] =	wrdreg s24  }
0xd: {  	s6 =	sshll.u32 s1, $0x6;
	s1 =	ssub.s32 $0x2, s1;
	[dreg:$0xe] =	wrdreg s25  }
0xe: {  	[dreg:$0xf] =	wrdreg s26;
	s17 =	simm.s32 $0x6800;
	s18 =	simm.s32 $0x6C00  }
0xf: {  	s19 =	simm.s32 $0x7400;
	s20 =	simm.s32 $0x7800;
	s21 =	simm.s32 $0x8000  }
0x10: {  	s23 =	simm.s32 $0x8C00;
	s24 =	simm.s32 $0x9000;
	s5 =	sor.u32 s6, s5  }
0x11: {  	s25 =	simm.s32 $0x9800;
	s26 =	simm.s32 $0x9C00;
	s7 =	sshll.u32 s5, $0x1  }
0x12: {  	s22 =	sshrl.u32 s1, $0x1;
	s5 =	sshrl.u32 s5, $0x3;
	s8 =	sand.u32 $0xF00, s7  }
0x13: {  	s1 =	ssub.s32 s1, s22;
	s5 =	smul.u32 $0x180, s5;
	s8 =	sor.u32 s6, s8  }
0x14: {  	s22 =	simm.s32 $0x8400;
	s6 =	sor.u32 s6, s7;
	s14 =	sshrl.u32 s8, $0x3  }
0x15: {  	s6 =	sshrl.u32 s6, $0x3;
	s15 =	sadd.s32 s5, s4;
	s3 =	sadd.s32 s3, s5  }
0x16: {  	s5 =	smax.u32 s1, $0x1;
	s8 =	simm.s32 $0x3800;
	s1 =	simm.s32 $0xBC00  }
0x17: {  	s7 =	sadd.s32 s9, s14;
	s6 =	sor.u32 $0x10, s6;
	[dreg:$0x5] =	wrdreg s3  }
0x18: {  	s16 =	sadd.s32 $0x4A600, s15;
	s3 =	sadd.s32 $0x2600, s4;
	s4 =	sadd.s32 $0x2700, s4  }
0x19: {  	v2 =	vlaneseq.u32;
	s14 =	simm.s32 $0x5C00;
	s15 =	simm.s32 $0x1;
	[dreg:$0x3] =	wrdreg s7  }
0x1a: {  	vm0 =	vmmov $0xffff;
	vm1 =	vmmov $0xff;
	v1 =	vshrl.u32 v2, $0x3;
	s6 =	sadd.s32 s9, s6;
	[dreg:$0x6] =	wrdreg s16;
	s9 =	simm.s32 $0x3C00  }
0x1b: {  	v0 =	vand.u32 $0x7, v2;
	v2 =	vor.u32 $0x8, v2;
	v1 =	vmul.u32 $0x8, v1;
	s16 =	simm.s32 $0x6000;
	[dreg:$0x4] =	wrdreg s6;
	s6 =	simm.s32 $0x2  }
.LBB2_1:
0x1c: {  	s0 =	rddreg [dreg:$0x3]  }
0x1d: {  	s7 =	rddreg [dreg:$0x7]  }
0x1e: {  	[tilespmem:s7], [sflag:$0x2] =	stream.linear.gather [hbm4b:s0+s2], $0x40, $0x38;
	[tilespmem:$0xC100] =	vst v63  }
0x1f: {  	_ =	swait.ge [sflag:s6], $0x40  }
0x20: {  	s0 =	rddreg [dreg:$0x4];
	[sflag:s6] =	ssyncset.done $0x0  }
0x21: {  	s7 =	rddreg [dreg:$0x8];
	[sflag:s6] =	ssyncadd.s32 $0xFFFFFFC0  }
0x22: {  	[tilespmem:s7], [sflag:$0x2] =	stream.linear.gather [hbm4b:s0+s2], $0x40, $0x38;
	[tilespmem:$0xC100] =	vst v63  }
0x23: {  	_ =	swait.ge [sflag:s6], $0x40  }
0x24: {  	[sflag:s6] =	ssyncset.done $0x0  }
0x25: {  	[sflag:s6] =	ssyncadd.s32 $0xFFFFFFC0  }
0x26: {  	v3 =	vld [tilespmem:$0xC000];
	_ =	sdelay $0x4  }
0x27: {  	v4 =	vshrl.u32 v3, $0x3  }
0x28: {  	v4 =	vmul.u32 $0x18, v4  }
0x29: {  	v3 =	vand.u32 $0x7, v3  }
0x2a: {  	v3 =	vor.u32 v3, v4  }
0x2b: {  	v4 =	vperm.xlane v3, v0;
	_ =	sdelay $0x1  }
0x2c: {  	v4 =	vadd.s32 v1, v4;
	_ =	sdelay $0x1  }
0x2d: {  	v3 =	vperm.xlane v3, v2;
	_ =	sdelay $0x1  }
0x2e: {  	v3 =	vadd.s32 v1, v3  }
0x2f: {  	[tilespmem:s2], [sflag:$0x1] =	stream.indirect_vreg.gather [hbm4b:s3+s2], $0x80, v4, vm0, $0xb8;
	[tilespmem:$0xC100] =	vst v63  }
0x30: {  	s0 =	rddreg [dreg:$0x9]  }
0x31: {  	[tilespmem:s0], [sflag:$0x1] =	stream.indirect_vreg.gather [hbm4b:s4+s2], $0x80, v4, vm1, $0xb8;
	[tilespmem:$0xC100] =	vst v63  }
0x32: {  	s7 =	rddreg [dreg:$0xa]  }
0x33: {  	[tilespmem:s7], [sflag:$0x1] =	stream.indirect_vreg.gather [hbm4b:s3+s2], $0x80, v3, vm0, $0xb8;
	[tilespmem:$0xC100] =	vst v63  }
0x34: {  	s0 =	rddreg [dreg:$0xb]  }
0x35: {  	[tilespmem:s0], [sflag:$0x1] =	stream.indirect_vreg.gather [hbm4b:s4+s2], $0x80, v3, vm1, $0xb8;
	[tilespmem:$0xC100] =	vst v63  }
0x36: {  	v3 =	vld [tilespmem:$0xC010];
	_ =	sdelay $0x4  }
0x37: {  	v57 =	vshrl.u32 v3, $0x3  }
0x38: {  	v4 =	vmul.u32 $0x18, v57  }
0x39: {  	v3 =	vand.u32 $0x7, v3  }
0x3a: {  	v3 =	vor.u32 v3, v4  }
0x3b: {  	v4 =	vperm.xlane v3, v0;
	_ =	sdelay $0x1  }
0x3c: {  	v4 =	vadd.s32 v1, v4;
	_ =	sdelay $0x1  }
0x3d: {  	v3 =	vperm.xlane v3, v2;
	_ =	sdelay $0x1  }
0x3e: {  	s0 =	rddreg [dreg:$0xc];
	v3 =	vadd.s32 v1, v3  }
0x3f: {  	[tilespmem:s0], [sflag:$0x1] =	stream.indirect_vreg.gather [hbm4b:s3+s2], $0x80, v4, vm0, $0xb8;
	[tilespmem:$0xC100] =	vst v63  }
0x40: {  	s7 =	rddreg [dreg:$0xd]  }
0x41: {  	[tilespmem:s7], [sflag:$0x1] =	stream.indirect_vreg.gather [hbm4b:s4+s2], $0x80, v4, vm1, $0xb8;
	[tilespmem:$0xC100] =	vst v63  }
0x42: {  	s0 =	rddreg [dreg:$0xe]  }
0x43: {  	[tilespmem:s0], [sflag:$0x1] =	stream.indirect_vreg.gather [hbm4b:s3+s2], $0x80, v3, vm0, $0xb8;
	[tilespmem:$0xC100] =	vst v63  }
0x44: {  	s7 =	rddreg [dreg:$0xf]  }
0x45: {  	[tilespmem:s7], [sflag:$0x1] =	stream.indirect_vreg.gather [hbm4b:s4+s2], $0x80, v3, vm1, $0xb8;
	[tilespmem:$0xC100] =	vst v63  }
0x46: {  	v3 =	vld [tilespmem:$0xC020];
	_ =	sdelay $0x4  }
0x47: {  	v58 =	vshrl.u32 v3, $0x3  }
0x48: {  	v4 =	vmul.u32 $0x18, v58  }
0x49: {  	v3 =	vand.u32 $0x7, v3  }
0x4a: {  	v3 =	vor.u32 v3, v4  }
0x4b: {  	v4 =	vperm.xlane v3, v0;
	_ =	sdelay $0x1  }
0x4c: {  	v4 =	vadd.s32 v1, v4;
	_ =	sdelay $0x1  }
0x4d: {  	v3 =	vperm.xlane v3, v2;
	_ =	sdelay $0x1  }
0x4e: {  	s7 =	simm.s32 $0x3000;
	v3 =	vadd.s32 v1, v3  }
0x4f: {  	[tilespmem:s7], [sflag:$0x1] =	stream.indirect_vreg.gather [hbm4b:s3+s2], $0x80, v4, vm0, $0xb8;
	[tilespmem:$0xC100] =	vst v63  }
0x50: {  	_ = 	snop  }
0x51: {  	[tilespmem:s8], [sflag:$0x1] =	stream.indirect_vreg.gather [hbm4b:s4+s2], $0x80, v4, vm1, $0xb8;
	[tilespmem:$0xC100] =	vst v63  }
0x52: {  	_ = 	snop  }
0x53: {  	[tilespmem:s9], [sflag:$0x1] =	stream.indirect_vreg.gather [hbm4b:s3+s2], $0x80, v3, vm0, $0xb8;
	[tilespmem:$0xC100] =	vst v63  }
0x54: {  	_ = 	snop  }
0x55: {  	[tilespmem:s10], [sflag:$0x1] =	stream.indirect_vreg.gather [hbm4b:s4+s2], $0x80, v3, vm1, $0xb8;
	[tilespmem:$0xC100] =	vst v63  }
0x56: {  	v3 =	vld [tilespmem:$0xC030];
	_ =	sdelay $0x4  }
0x57: {  	v59 =	vshrl.u32 v3, $0x3  }
0x58: {  	v4 =	vmul.u32 $0x18, v59  }
0x59: {  	v3 =	vand.u32 $0x7, v3  }
0x5a: {  	v3 =	vor.u32 v3, v4  }
0x5b: {  	v4 =	vperm.xlane v3, v0;
	_ =	sdelay $0x1  }
0x5c: {  	v4 =	vadd.s32 v1, v4;
	_ =	sdelay $0x1  }
0x5d: {  	v3 =	vperm.xlane v3, v2;
	_ =	sdelay $0x1  }
0x5e: {  	v3 =	vadd.s32 v1, v3  }
0x5f: {  	[tilespmem:s11], [sflag:$0x1] =	stream.indirect_vreg.gather [hbm4b:s3+s2], $0x80, v4, vm0, $0xb8;
	[tilespmem:$0xC100] =	vst v63  }
0x60: {  	_ = 	snop  }
0x61: {  	[tilespmem:s12], [sflag:$0x1] =	stream.indirect_vreg.gather [hbm4b:s4+s2], $0x80, v4, vm1, $0xb8;
	[tilespmem:$0xC100] =	vst v63  }
0x62: {  	_ = 	snop  }
0x63: {  	[tilespmem:s13], [sflag:$0x1] =	stream.indirect_vreg.gather [hbm4b:s3+s2], $0x80, v3, vm0, $0xb8;
	[tilespmem:$0xC100] =	vst v63  }
0x64: {  	_ = 	snop  }
0x65: {  	[tilespmem:s14], [sflag:$0x1] =	stream.indirect_vreg.gather [hbm4b:s4+s2], $0x80, v3, vm1, $0xb8;
	[tilespmem:$0xC100] =	vst v63  }
0x66: {  	_ =	swait.ge [sflag:s15], $0x6000  }
0x67: {  	[sflag:s15] =	ssyncset.done $0x0  }
0x68: {  	[sflag:s15] =	ssyncadd.s32 $0xFFFFA000  }
0x69: {  	v3 =	vld [tilespmem:$0xC080];
	_ =	sdelay $0x4  }
0x6a: {  	v60 =	vshrl.u32 v3, $0x3  }
0x6b: {  	v4 =	vmul.u32 $0x18, v60  }
0x6c: {  	v3 =	vand.u32 $0x7, v3  }
0x6d: {  	v3 =	vor.u32 v3, v4  }
0x6e: {  	v4 =	vperm.xlane v3, v0;
	_ =	sdelay $0x1  }
0x6f: {  	v4 =	vadd.s32 v1, v4;
	_ =	sdelay $0x1  }
0x70: {  	v3 =	vperm.xlane v3, v2;
	_ =	sdelay $0x1  }
0x71: {  	v3 =	vadd.s32 v1, v3  }
0x72: {  	[tilespmem:s16], [sflag:$0x1] =	stream.indirect_vreg.gather [hbm4b:s3+s2], $0x80, v4, vm0, $0xb8;
	[tilespmem:$0xC100] =	vst v63  }
0x73: {  	_ = 	snop  }
0x74: {  	[tilespmem:s17], [sflag:$0x1] =	stream.indirect_vreg.gather [hbm4b:s4+s2], $0x80, v4, vm1, $0xb8;
	[tilespmem:$0xC100] =	vst v63  }
0x75: {  	_ = 	snop  }
0x76: {  	[tilespmem:s18], [sflag:$0x1] =	stream.indirect_vreg.gather [hbm4b:s3+s2], $0x80, v3, vm0, $0xb8;
	[tilespmem:$0xC100] =	vst v63  }
0x77: {  	_ = 	snop  }
0x78: {  	[tilespmem:s19], [sflag:$0x1] =	stream.indirect_vreg.gather [hbm4b:s4+s2], $0x80, v3, vm1, $0xb8;
	[tilespmem:$0xC100] =	vst v63  }
0x79: {  	v3 =	vld [tilespmem:$0xC090];
	_ =	sdelay $0x4  }
0x7a: {  	v61 =	vshrl.u32 v3, $0x3  }
0x7b: {  	v4 =	vmul.u32 $0x18, v61  }
0x7c: {  	v3 =	vand.u32 $0x7, v3  }
0x7d: {  	v3 =	vor.u32 v3, v4  }
0x7e: {  	v4 =	vperm.xlane v3, v0;
	_ =	sdelay $0x1  }
0x7f: {  	v4 =	vadd.s32 v1, v4;
	_ =	sdelay $0x1  }
0x80: {  	v3 =	vperm.xlane v3, v2;
	_ =	sdelay $0x1  }
0x81: {  	v3 =	vadd.s32 v1, v3  }
0x82: {  	[tilespmem:s20], [sflag:$0x1] =	stream.indirect_vreg.gather [hbm4b:s3+s2], $0x80, v4, vm0, $0xb8;
	[tilespmem:$0xC100] =	vst v63  }
0x83: {  	_ = 	snop  }
0x84: {  	[tilespmem:s21], [sflag:$0x1] =	stream.indirect_vreg.gather [hbm4b:s4+s2], $0x80, v4, vm1, $0xb8;
	[tilespmem:$0xC100] =	vst v63  }
0x85: {  	_ = 	snop  }
0x86: {  	[tilespmem:s22], [sflag:$0x1] =	stream.indirect_vreg.gather [hbm4b:s3+s2], $0x80, v3, vm0, $0xb8;
	[tilespmem:$0xC100] =	vst v63  }
0x87: {  	_ = 	snop  }
0x88: {  	[tilespmem:s23], [sflag:$0x1] =	stream.indirect_vreg.gather [hbm4b:s4+s2], $0x80, v3, vm1, $0xb8;
	[tilespmem:$0xC100] =	vst v63  }
0x89: {  	v3 =	vld [tilespmem:$0xC0A0];
	_ =	sdelay $0x4  }
0x8a: {  	v62 =	vshrl.u32 v3, $0x3  }
0x8b: {  	v4 =	vmul.u32 $0x18, v62  }
0x8c: {  	v3 =	vand.u32 $0x7, v3  }
0x8d: {  	v3 =	vor.u32 v3, v4  }
0x8e: {  	v4 =	vperm.xlane v3, v0;
	_ =	sdelay $0x1  }
0x8f: {  	v4 =	vadd.s32 v1, v4;
	_ =	sdelay $0x1  }
0x90: {  	v3 =	vperm.xlane v3, v2;
	_ =	sdelay $0x1  }
0x91: {  	v3 =	vadd.s32 v1, v3  }
0x92: {  	[tilespmem:s24], [sflag:$0x1] =	stream.indirect_vreg.gather [hbm4b:s3+s2], $0x80, v4, vm0, $0xb8;
	[tilespmem:$0xC100] =	vst v63  }
0x93: {  	_ = 	snop  }
0x94: {  	[tilespmem:s25], [sflag:$0x1] =	stream.indirect_vreg.gather [hbm4b:s4+s2], $0x80, v4, vm1, $0xb8;
	[tilespmem:$0xC100] =	vst v63  }
0x95: {  	_ = 	snop  }
0x96: {  	[tilespmem:s26], [sflag:$0x1] =	stream.indirect_vreg.gather [hbm4b:s3+s2], $0x80, v3, vm0, $0xb8;
	[tilespmem:$0xC100] =	vst v63  }
0x97: {  	_ = 	snop  }
0x98: {  	[tilespmem:s28], [sflag:$0x1] =	stream.indirect_vreg.gather [hbm4b:s4+s2], $0x80, v3, vm1, $0xb8;
	[tilespmem:$0xC100] =	vst v63  }
0x99: {  	v3 =	vld [tilespmem:$0xC0B0];
	_ =	sdelay $0x4  }
0x9a: {  	v63 =	vshrl.u32 v3, $0x3  }
0x9b: {  	v4 =	vmul.u32 $0x18, v63  }
0x9c: {  	v3 =	vand.u32 $0x7, v3  }
0x9d: {  	v3 =	vor.u32 v3, v4  }
0x9e: {  	v4 =	vperm.xlane v3, v0;
	_ =	sdelay $0x1  }
0x9f: {  	v4 =	vadd.s32 v1, v4;
	_ =	sdelay $0x1  }
0xa0: {  	v3 =	vperm.xlane v3, v2;
	_ =	sdelay $0x1  }
0xa1: {  	v3 =	vadd.s32 v1, v3  }
0xa2: {  	[tilespmem:s29], [sflag:$0x1] =	stream.indirect_vreg.gather [hbm4b:s3+s2], $0x80, v4, vm0, $0xb8;
	[tilespmem:$0xC100] =	vst v63  }
0xa3: {  	_ = 	snop  }
0xa4: {  	[tilespmem:s30], [sflag:$0x1] =	stream.indirect_vreg.gather [hbm4b:s4+s2], $0x80, v4, vm1, $0xb8;
	[tilespmem:$0xC100] =	vst v63  }
0xa5: {  	_ = 	snop  }
0xa6: {  	[tilespmem:s31], [sflag:$0x1] =	stream.indirect_vreg.gather [hbm4b:s3+s2], $0x80, v3, vm0, $0xb8;
	[tilespmem:$0xC100] =	vst v63  }
0xa7: {  	_ = 	snop  }
0xa8: {  	[tilespmem:s1], [sflag:$0x1] =	stream.indirect_vreg.gather [hbm4b:s4+s2], $0x80, v3, vm1, $0xb8;
	[tilespmem:$0xC100] =	vst v63  }
0xa9: {  	_ =	swait.ge [sflag:s15], $0x6000  }
0xaa: {  	[sflag:s15] =	ssyncset.done $0x0  }
0xab: {  	s7 =	rddreg [dreg:$0x5];
	[sflag:s15] =	ssyncadd.s32 $0xFFFFA000  }
0xac: {  	[hbm4b:s7+s2] =	stream.linear.scatter [tilespmem:s2], [sflag:$0x2], $0x6000, $0x38;
	[tilespmem:$0xC100] =	vst v63  }
0xad: {  	_ =	swait.ge [sflag:s6], $0x6000  }
0xae: {  	p0 =	sne.s32 s5, $0x1;
	[sflag:s6] =	ssyncset.done $0x0  }
.Ltmp0:
0xaf: {  	s7 =	rddreg [dreg:$0x6];
	[sflag:s6] =	ssyncadd.s32 $0xFFFFA000;
	(pc) =	sbr.rel @p0 .LBB2_1-.Ltmp0, $4  }
0xb0: {  	[hbm4b:s7+s2] =	stream.linear.scatter [tilespmem:s16], [sflag:$0x2], $0x6000, $0x38;
	[tilespmem:$0xC100] =	vst v63  }
0xb1: {  	_ =	swait.ge [sflag:s6], $0x6000  }
0xb2: {  	[sflag:s6] =	ssyncset.done $0x0  }
0xb3: {  	s5 =	sadd.s32 $0xFFFFFFFF, s5;
	[sflag:s6] =	ssyncadd.s32 $0xFFFFA000  }
0xb4: {  	_ =	sfence.sel $0x180000  }
0xb5: {  	[bflag:$0x0] =	sbarrier.arrive $0xFFFF  }
0xb6: {  	_ =	strace $0x9000004A  }
0xb7: {  	s0 =	stileid.u32;
	[bflag:$0x2] =	sbarrier.arrive $0xFFFF  }
0xb8: {  	p0 =	sne.s32 s0, $0x0;
	s0 =	rddreg [dreg:$0x2]  }
0xb9: {  	s0 =	sadd.s32 @!p0 $0x100000, s0  }
0xba: {  	[sflag:s0] =	ssyncadd.tile.s32 @!p0 $0x1;
	_ =	shalt  }
.Lfunc_end2:
_tile_overlayer_lowered:
.L_overlay_start_2:
0xbb: {  	(tag) =	ssettag $0x2  }
0xbc: {  	s0 =	rddreg [dreg:$0x0];
	s2 =	stileid.u32  }
0xbd: {  	s1 =	rddreg [dreg:$0x1];
	p0 =	sne.s32 s2, $0x0  }
0xbe: {  	s3 =	rddreg [dreg:$0x2];
	[bflag:$0x3] =	sbarrier.arrive $0xFFFF;
	s2 =	simm.s32 @!p0 $0x1C02  }
0xbf: {  	[timem:s3], [sflag:s2] =	dma.local @!p0 [hbm:s0], s1  }
0xc0: {  	s0 =	simm.s32 @!p0 $0x2  }
0xc1: {  	_ =	swait.ge @!p0 [sflag:s0], s1  }
0xc2: {  	s1 =	ssub.s32 @!p0 $0x0, s1;
	[sflag:s0] =	ssyncset.done @!p0 $0x0  }
0xc3: {  	[sflag:s0] =	ssyncadd.s32 @!p0 s1  }
0xc4: {  	[bflag:$0x3] =	sbarrier.arrive $0xFFFF  }
0xc5: {  	_ =	shalt  }

// kernel: kernel.7.cloned.1.call-start
scs
__scs_entry_jumppad:
0x0: {  	(pc) =	sbr.rel $0x88, $3  }
0x1: {  	(tag) =	ssettag $0x0;
	lr =	simm.s32 $0x1  }
0x2: {  	[smem:$0x3F98] =	sst lr;
	_ =	strace $0xD0000000  }
0x3: {  	_ = 	snop  }
0x4: {  	_ = 	snop  }
0x5: {  	_ = 	snop  }
0x6: {  	_ = 	snop  }
0x7: {  	_ = 	snop  }
__scs_overlays_trampoline_lowered:
0x8: {  	[smem:$0x3FA7] =	sst s0  }
0x9: {  	[smem:$0x3FA8] =	sst s1  }
0xa: {  	[smem:$0x3FA9] =	sst s2  }
0xb: {  	[smem:$0x3FAA] =	sst s3  }
0xc: {  	[smem:$0x3FAB] =	sst s4  }
0xd: {  	[smem:$0x3FAC] =	sst s5  }
0xe: {  	[smem:$0x3FAD] =	sst s6  }
0xf: {  	[smem:$0x3FAE] =	sst s7  }
0x10: {  	[smem:$0x3FAF] =	sst s8  }
0x11: {  	[smem:$0x3FB0] =	sst s9;
	s0 =	simm.s32 @!p0 $0x0  }
0x12: {  	s1 =	sld [smem:$0x3F96];
	s0 =	simm.s32 @p0 $0x1  }
0x13: {  	[smem:$0x3FB1] =	sst s0;
	s0 =	simm.s32 @!p1 $0x0  }
0x14: {  	s2 =	sld [smem:$0x3F95];
	s0 =	simm.s32 @p1 $0x1  }
0x15: {  	[smem:$0x3FB2] =	sst s0;
	s0 =	simm.s32 @!p2 $0x0  }
0x16: {  	s3 =	sld [smem:$0x3FDB];
	s0 =	simm.s32 @p2 $0x1  }
0x17: {  	s4 =	simm.s32 $0x1BF5;
	[smem:$0x3FB4] =	sst s0  }
0x18: {  	s0 =	sld [smem:$0x3F97];
	_ =	swait.ge [sflag:s4], $0x0  }
0x19: {  	s7 =	sld [smem:$0x3F98]  }
0x1a: {  	s8 =	sadd.s32 $0xFFFFE003, lr  }
0x1b: {  	s9 =	sadd.s32 $0xFFFFFEF7, lr;
	s5 =	simm.s32 $0xFFFFFFFF;
	p2 =	slt.u32 s8, $0xFFFFF086  }
0x1c: {  	p1 =	slt.u32 s9, $0xF7A;
	s5 =	simm.s32 @!p2 $0x0  }
0x1d: {  	s5 =	simm.s32 @p1 $0x1;
	p0 =	seq.s32 s7, s2  }
0x1e: {  	s7 =	smul.u32 @!p0 $0xF7A, s2;
	p2 =	seq.s32 @!p0 s5, $0x0  }
0x1f: {  	s9 =	smul.u32 $0xF7A, s1;
	s8 =	simm.s32 @!p0 $0x1BF5;
	p2 =	por !p2, p0  }
0x20: {  	[sflag:s8] =	ssyncset.s32 @!p0 $0xFFFFF086;
	s6 =	sadd.s32 @!p0 s3, s7;
	s7 =	simm.s32 @!p0 $0x108  }
0x21: {  	s3 =	sadd.s32 s3, s9;
	s6 =	sadd.s32 @!p0 $0x88, s6;
	s7 =	simm.s32 @p2 $0x1082  }
0x22: {  	[simem:s7], [sflag:s8] =	dma.local @!p0 [hbm:s6], $0xF7A  }
0x23: {  	s9 =	sor.u32 $0xD0000000, s2;
	s6 =	simm.s32 $0x108;
	_ =	swait.ge @!p0 [sflag:s8], $0x0  }
0x24: {  	s3 =	sadd.s32 $0x88, s3;
	s6 =	simm.s32 @!p1 $0x1082;
	[sflag:s4] =	ssyncset.s32 $0xFFFFF086  }
0x25: {  	[simem:s6], [sflag:s4] =	dma.local [hbm:s3], $0xF7A  }
0x26: {  	[smem:$0x3F98] =	sst s1;
	(tag) =	ssettag s2;
	_ =	strace s9  }
0x27: {  	s1 =	sld [smem:$0x3FA8]  }
0x28: {  	s2 =	sld [smem:$0x3FA9]  }
0x29: {  	s4 =	sld [smem:$0x3FAB]  }
0x2a: {  	p0 =	seq.s32 s5, $0x0;
	s5 =	sld [smem:$0x3FAC]  }
0x2b: {  	s6 =	sld [smem:$0x3FAD]  }
0x2c: {  	s7 =	sld [smem:$0x3FAE]  }
0x2d: {  	s3 =	simm.s32 $0x108;
	s8 =	sld [smem:$0x3FAF]  }
0x2e: {  	s3 =	simm.s32 @!p0 $0x1082;
	s9 =	sld [smem:$0x3FB0]  }
0x2f: {  	lr =	sadd.s32 s0, s3;
	s0 =	sld [smem:$0x3FA7]  }
0x30: {  	s3 =	sld [smem:$0x3FAA]  }
0x31: {  	[smem:$0x3FB3] =	sst s10  }
0x32: {  	s10 =	sld [smem:$0x3FB1];
	_ =	sdelay $0x3  }
0x33: {  	p0 =	seq.s32 s10, $0x1;
	s10 =	sld [smem:$0x3FB3];
	_ =	sdelay $0x3  }
0x34: {  	[smem:$0x3FB3] =	sst s10  }
0x35: {  	s10 =	sld [smem:$0x3FB2];
	_ =	sdelay $0x3  }
0x36: {  	p1 =	seq.s32 s10, $0x1;
	s10 =	sld [smem:$0x3FB3];
	_ =	sdelay $0x3  }
0x37: {  	[smem:$0x3FB3] =	sst s10  }
0x38: {  	s10 =	sld [smem:$0x3FB4]  }
0x39: {  	_ = 	snop;
	(pc) =	sbr.ind lr, $3  }
0x3a: {  	_ = 	snop  }
0x3b: {  	_ = 	snop  }
0x3c: {  	p2 =	seq.s32 s10, $0x1;
	s10 =	sld [smem:$0x3FB3]  }
0x3d: {  	_ =	shalt  }
0x3e: {  	_ =	shalt  }
0x3f: {  	_ =	shalt  }
0x40: {  	_ =	shalt  }
0x41: {  	_ =	shalt  }
0x42: {  	_ =	shalt  }
0x43: {  	_ =	shalt  }
0x44: {  	_ =	shalt  }
0x45: {  	_ =	shalt  }
0x46: {  	_ =	shalt  }
0x47: {  	_ =	shalt  }
0x48: {  	_ =	shalt  }
0x49: {  	_ =	shalt  }
0x4a: {  	_ =	shalt  }
0x4b: {  	_ =	shalt  }
0x4c: {  	_ =	shalt  }
0x4d: {  	_ =	shalt  }
0x4e: {  	_ =	shalt  }
0x4f: {  	_ =	shalt  }
0x50: {  	_ =	shalt  }
0x51: {  	_ =	shalt  }
0x52: {  	_ =	shalt  }
0x53: {  	_ =	shalt  }
0x54: {  	_ =	shalt  }
0x55: {  	_ =	shalt  }
0x56: {  	_ =	shalt  }
0x57: {  	_ =	shalt  }
0x58: {  	_ =	shalt  }
0x59: {  	_ =	shalt  }
0x5a: {  	_ =	shalt  }
0x5b: {  	_ =	shalt  }
0x5c: {  	_ =	shalt  }
0x5d: {  	_ =	shalt  }
0x5e: {  	_ =	shalt  }
0x5f: {  	_ =	shalt  }
0x60: {  	_ =	shalt  }
0x61: {  	_ =	shalt  }
0x62: {  	_ =	shalt  }
0x63: {  	_ =	shalt  }
0x64: {  	_ =	shalt  }
0x65: {  	_ =	shalt  }
0x66: {  	_ =	shalt  }
0x67: {  	_ =	shalt  }
0x68: {  	_ =	shalt  }
0x69: {  	_ =	shalt  }
0x6a: {  	_ =	shalt  }
0x6b: {  	_ =	shalt  }
0x6c: {  	_ =	shalt  }
0x6d: {  	_ =	shalt  }
0x6e: {  	_ =	shalt  }
0x6f: {  	_ =	shalt  }
0x70: {  	_ =	shalt  }
0x71: {  	_ =	shalt  }
0x72: {  	_ =	shalt  }
0x73: {  	_ =	shalt  }
0x74: {  	_ =	shalt  }
0x75: {  	_ =	shalt  }
0x76: {  	_ =	shalt  }
0x77: {  	_ =	shalt  }
0x78: {  	_ =	shalt  }
0x79: {  	_ =	shalt  }
0x7a: {  	_ =	shalt  }
0x7b: {  	_ =	shalt  }
0x7c: {  	_ =	shalt  }
0x7d: {  	_ =	shalt  }
0x7e: {  	_ =	shalt  }
0x7f: {  	_ =	shalt  }
0x80: {  	_ =	shalt  }
0x81: {  	_ =	shalt  }
0x82: {  	_ =	shalt  }
0x83: {  	_ =	shalt  }
0x84: {  	_ =	shalt  }
0x85: {  	_ =	shalt  }
0x86: {  	_ =	shalt  }
0x87: {  	_ =	shalt  }
.Lfunc_end0:
.L_simem_size_0:
called_computation_lowered:
.L_overlay_start_0:
0x88: {  	s2 =	sld [smem:$0x3FD9]  }
0x89: {  	s3 =	sld [smem:$0x3FFE];
	_ =	sdelay $0x1  }
0x8a: {  	s1 =	srdreg.scid  }
0x8b: {  	s0 =	sand.u32 $0x1, s1  }
0x8c: {  	s14 =	sshll.u32 s0, $0xA;
	s2 =	sadd.s32 s3, s2  }
0x8d: {  	s2 =	sadd.s32 s2, s14  }
0x8e: {  	[smem:$0x3FBF] =	sst s2  }
0x8f: {  	_ = 	snop  }
0x90: {  	s2 =	sld [smem:$0x3FD0];
	_ =	sdelay $0x2  }
0x91: {  	s15 =	simm.s32 $0xA;
	s4 =	simm.s32 $0x10  }
0x92: {  	[smem:s4], [sflag:s15] =	dma.local [hbm:s2], $0x1  }
0x93: {  	_ =	swait.eq [sflag:s15], $0x1  }
0x94: {  	[sflag:s15] =	ssyncset.done $0x0  }
0x95: {  	[sflag:s15] =	ssyncadd.s32 $0xFFFFFFFF  }
0x96: {  	s16 =	sld [smem:$0x10];
	(tm) =	ssettm $0x1  }
0x97: {  	s17 =	sld [smem:$0x3FFB];
	_ =	sdelay $0x3  }
0x98: {  	_ =	strace s17  }
0x99: {  	s3 =	sld [smem:$0x3FFC];
	_ =	sdelay $0x3  }
0x9a: {  	_ =	strace s3  }
0x9b: {  	s3 =	sld [smem:$0x3FFD];
	_ =	sdelay $0x3  }
0x9c: {  	_ =	strace s3  }
0x9d: {  	_ =	strace $0x8FFFFFFF  }
0x9e: {  	s18 =	sld [smem:$0x3FDB];
	_ =	sdelay $0x1  }
0x9f: {  	s19 =	simm.s32 $_scs_section_size  }
0xa0: {  	s5 =	simm.s32 $_size__tile_overlayer_lowered;
	s6 =	simm.s32 $_tile_overlayer_lowered  }
0xa1: {  	s22 =	simm.s32 $0x1BFF;
	s21 =	sshll.u32 s6, $0x1;
	s3 =	sadd.s32 s19, s18  }
0xa2: {  	s7 =	simm.s32 $0x0;
	s20 =	sshll.u32 s5, $0x1;
	s5 =	sadd.s32 s21, s3  }
0xa3: {  	[timem:s7], [sflag:s22] =	dma.local [hbm:s5], s20  }
0xa4: {  	_ =	swait.ge [sflag:s22], s20  }
0xa5: {  	s4 =	ssub.s32 $0x0, s20;
	[sflag:s22] =	ssyncset.done $0x0  }
0xa6: {  	[sflag:s22] =	ssyncadd.s32 s4;
	_ =	sdelay $0x1  }
0xa7: {  	s23 =	simm.s32 $0x1B8B  }
0xa8: {  	_ =	swait.ge [sflag:s23], $0x1  }
0xa9: {  	[sflag:s23] =	ssyncset.done $0x0  }
0xaa: {  	s25 =	simm.s32 $0x1B8E;
	s24 =	sld [smem:$0x3FFE];
	[sflag:s23] =	ssyncadd.s32 $0xFFFFFFFF  }
0xab: {  	s26 =	simm.s32 $execute0_lowered;
	[smem:$0x3FD2] =	sst s25  }
0xac: {  	s5 =	sshll.u32 s26, $0x1;
	_ =	strace $0x80000046;
	[dreg:$0x1] =	wrdreg $0xFFFFFFFF  }
0xad: {  	s28 =	simm.s32 $_size_execute0_lowered;
	s3 =	sadd.s32 s3, s5;
	[dreg:$0x0] =	wrdreg $0x0  }
0xae: {  	s5 =	sshll.u32 s28, $0x1;
	[dreg:$0x2] =	wrdreg s3  }
0xaf: {  	[dreg:$0x3] =	wrdreg s5  }
0xb0: {  	[dreg:$0x4] =	wrdreg $0xC0  }
0xb1: {  	_ =	task [dreg:s7], $0x5FFFF  }
0xb2: {  	[dreg:$0x1] =	wrdreg $0xFFFFFFFF  }
0xb3: {  	[dreg:$0x0] =	wrdreg $0x60  }
0xb4: {  	[dreg:$0x2] =	wrdreg s16  }
0xb5: {  	[dreg:$0x3] =	wrdreg s24  }
0xb6: {  	[dreg:$0x4] =	wrdreg $0x9  }
0xb7: {  	_ =	task.clear_ibuf [dreg:s7], $0x5FFFF;
	_ =	strace $0x90000046  }
0xb8: {  	s29 =	simm.s32 $0x9;
	_ =	strace $0x80000048  }
0xb9: {  	_ =	swait.ge [sflag:s29], $0x1  }
0xba: {  	[sflag:s29] =	ssyncadd.s32 $0xFFFFFFFF  }
0xbb: {  	_ =	strace $0x90000048  }
0xbc: {  	_ =	sfence  }
0xbd: {  	s30 =	sld [smem:$0x0];
	_ =	sdelay $0x2  }
0xbe: {  	s31 =	sshll.u32 s1, $0xD;
	s1 =	sshrl.u32 s1, $0x2  }
0xbf: {  	s3 =	sand.u32 $0x4000, s31;
	s1 =	sadd.s32 s1, s30  }
0xc0: {  	s0 =	sor.u32 s3, s0;
	s1 =	sshll.u32 s1, $0x11  }
0xc1: {  	s0 =	sor.u32 s1, s0  }
0xc2: {  	s0 =	sadd.s32 $0x8F2B, s0  }
0xc3: {  	[sflag:s0] =	ssyncadd.remote.s32 $0x1  }
0xc4: {  	_ =	sfence.sel $0xFFFF  }
0xc5: {  	[dreg:$0x0] =	wrdreg $0xFFFFFFFF;
	(pc) =	sbr.abs _section_cstart, $3  }
0xc6: {  	[dreg:$0x1] =	wrdreg $0xFFFFFFFF  }
0xc7: {  	_ =	task.clear_ibuf [dreg:s7], $0x2FFFF;
	_ =	strace $0x9FFFFFFF  }
0xc8: {  	(tm) =	ssettm $0x7FFFFFFF  }
0xc9: {  	_ =	shalt  }
tec
execute0_lowered:
.L_overlay_start_1:
0x0: {  	(tag) =	ssettag $0x1  }
0x1: {  	s4 =	rddreg [dreg:$0x0]  }
0x2: {  	s7 =	rddreg [dreg:$0x1]  }
0x3: {  	s0 =	rddreg [dreg:$0x2];
	s2 =	simm.s32 $0x0;
	s3 =	srdreg.scid  }
0x4: {  	s1 =	stileid.u32;
	s13 =	simm.s32 $0xC00;
	s14 =	simm.s32 $0x1400  }
0x5: {  	s15 =	simm.s32 $0x1800;
	s16 =	simm.s32 $0x2000;
	s17 =	simm.s32 $0x2400  }
0x6: {  	s18 =	simm.s32 $0x2C00;
	s19 =	simm.s32 $0x3000;
	s20 =	simm.s32 $0x3800  }
0x7: {  	s21 =	simm.s32 $0x3C00;
	s22 =	simm.s32 $0x4400;
	s23 =	simm.s32 $0x4800  }
0x8: {  	s24 =	simm.s32 $0x5000;
	s25 =	simm.s32 $0x5400;
	s26 =	simm.s32 $0x5C00  }
0x9: {  	s28 =	simm.s32 $0x1;
	[smem:$0x7FF] =	sst s2;
	s3 =	sand.u32 $0x1, s3  }
0xa: {  	s5 =	sshll.u32 s1, $0x7;
	s8 =	sadd.s32 $0x2400, s7;
	_ =	strace $0x80000047  }
0xb: {  	s6 =	sshll.u32 s3, $0x6;
	s9 =	ssub.s32 $0x2, s3;
	s3 =	sadd.s32 $0x2600, s7  }
0xc: {  	s7 =	sadd.s32 $0x2700, s7;
	s5 =	sor.u32 s6, s5;
	s10 =	sshrl.u32 s9, $0x1  }
0xd: {  	s11 =	sshll.u32 s5, $0x1;
	s5 =	sshrl.u32 s5, $0x3;
	s9 =	ssub.s32 s9, s10  }
0xe: {  	s10 =	simm.s32 $0x6000;
	s12 =	sand.u32 $0xF00, s11;
	s11 =	sor.u32 s6, s11  }
0xf: {  	s5 =	smul.u32 $0x180, s5;
	s6 =	sor.u32 s6, s12;
	s11 =	sshrl.u32 s11, $0x3  }
0x10: {  	v2 =	vlaneseq.u32;
	s12 =	simm.s32 $0x800;
	s6 =	sshrl.u32 s6, $0x3;
	s31 =	sor.u32 $0x10, s11  }
0x11: {  	vm0 =	vmmov $0xffff;
	vm1 =	vmmov $0xff;
	v1 =	vshrl.u32 v2, $0x3;
	s4 =	sadd.s32 s4, s5;
	s11 =	simm.s32 $0x6080;
	s5 =	sadd.s32 s8, s6  }
0x12: {  	v0 =	vand.u32 $0x7, v2;
	v2 =	vor.u32 $0x8, v2;
	v1 =	vmul.u32 $0x8, v1;
	s6 =	sadd.s32 s8, s31;
	s8 =	smax.u32 s9, $0x1;
	s9 =	simm.s32 $0x2  }
.LBB2_1:
0x13: {  	[tilespmem:s2], [sflag:$0x2] =	stream.linear.gather [hbm4b:s4+s2], $0x6000, $0x38;
	[tilespmem:$0x6100] =	vst v63  }
0x14: {  	_ =	swait.ge [sflag:s9], $0x6000  }
0x15: {  	[sflag:s9] =	ssyncset.done $0x0  }
0x16: {  	[sflag:s9] =	ssyncadd.s32 $0xFFFFA000  }
0x17: {  	[tilespmem:s10], [sflag:$0x2] =	stream.linear.gather [hbm4b:s5+s2], $0x40, $0x38;
	[tilespmem:$0x6100] =	vst v63  }
0x18: {  	_ =	swait.ge [sflag:s9], $0x40  }
0x19: {  	[sflag:s9] =	ssyncset.done $0x0  }
0x1a: {  	[sflag:s9] =	ssyncadd.s32 $0xFFFFFFC0  }
0x1b: {  	[tilespmem:s11], [sflag:$0x2] =	stream.linear.gather [hbm4b:s6+s2], $0x40, $0x38;
	[tilespmem:$0x6100] =	vst v63  }
0x1c: {  	_ =	swait.ge [sflag:s9], $0x40  }
0x1d: {  	[sflag:s9] =	ssyncset.done $0x0  }
0x1e: {  	[sflag:s9] =	ssyncadd.s32 $0xFFFFFFC0  }
0x1f: {  	v3 =	vld [tilespmem:$0x6000];
	_ =	sdelay $0x4  }
0x20: {  	v4 =	vshrl.u32 v3, $0x3  }
0x21: {  	v4 =	vmul.u32 $0x18, v4  }
0x22: {  	v3 =	vand.u32 $0x7, v3  }
0x23: {  	v3 =	vor.u32 v3, v4  }
0x24: {  	v4 =	vperm.xlane v3, v0;
	_ =	sdelay $0x1  }
0x25: {  	v4 =	vadd.s32 v1, v4;
	_ =	sdelay $0x1  }
0x26: {  	v3 =	vperm.xlane v3, v2;
	_ =	sdelay $0x1  }
0x27: {  	v3 =	vadd.s32 v1, v3  }
0x28: {  	[hbm4b:s3+s2] =	stream.indirect_vreg.scatter [tilespmem:s2], [sflag:$0x1], $0x80, v4, vm0, $0xb8;
	[tilespmem:$0x6100] =	vst v63  }
0x29: {  	_ = 	snop  }
0x2a: {  	[hbm4b:s7+s2] =	stream.indirect_vreg.scatter [tilespmem:s12], [sflag:$0x1], $0x80, v4, vm1, $0xb8;
	[tilespmem:$0x6100] =	vst v63  }
0x2b: {  	_ = 	snop  }
0x2c: {  	[hbm4b:s3+s2] =	stream.indirect_vreg.scatter [tilespmem:s13], [sflag:$0x1], $0x80, v3, vm0, $0xb8;
	[tilespmem:$0x6100] =	vst v63  }
0x2d: {  	_ = 	snop  }
0x2e: {  	[hbm4b:s7+s2] =	stream.indirect_vreg.scatter [tilespmem:s14], [sflag:$0x1], $0x80, v3, vm1, $0xb8;
	[tilespmem:$0x6100] =	vst v63  }
0x2f: {  	v3 =	vld [tilespmem:$0x6010];
	_ =	sdelay $0x4  }
0x30: {  	v57 =	vshrl.u32 v3, $0x3  }
0x31: {  	v4 =	vmul.u32 $0x18, v57  }
0x32: {  	v3 =	vand.u32 $0x7, v3  }
0x33: {  	v3 =	vor.u32 v3, v4  }
0x34: {  	v4 =	vperm.xlane v3, v0;
	_ =	sdelay $0x1  }
0x35: {  	v4 =	vadd.s32 v1, v4;
	_ =	sdelay $0x1  }
0x36: {  	v3 =	vperm.xlane v3, v2;
	_ =	sdelay $0x1  }
0x37: {  	v3 =	vadd.s32 v1, v3  }
0x38: {  	[hbm4b:s3+s2] =	stream.indirect_vreg.scatter [tilespmem:s15], [sflag:$0x1], $0x80, v4, vm0, $0xb8;
	[tilespmem:$0x6100] =	vst v63  }
0x39: {  	_ = 	snop  }
0x3a: {  	[hbm4b:s7+s2] =	stream.indirect_vreg.scatter [tilespmem:s16], [sflag:$0x1], $0x80, v4, vm1, $0xb8;
	[tilespmem:$0x6100] =	vst v63  }
0x3b: {  	_ = 	snop  }
0x3c: {  	[hbm4b:s3+s2] =	stream.indirect_vreg.scatter [tilespmem:s17], [sflag:$0x1], $0x80, v3, vm0, $0xb8;
	[tilespmem:$0x6100] =	vst v63  }
0x3d: {  	_ = 	snop  }
0x3e: {  	[hbm4b:s7+s2] =	stream.indirect_vreg.scatter [tilespmem:s18], [sflag:$0x1], $0x80, v3, vm1, $0xb8;
	[tilespmem:$0x6100] =	vst v63  }
0x3f: {  	v3 =	vld [tilespmem:$0x6020];
	_ =	sdelay $0x4  }
0x40: {  	v58 =	vshrl.u32 v3, $0x3  }
0x41: {  	v4 =	vmul.u32 $0x18, v58  }
0x42: {  	v3 =	vand.u32 $0x7, v3  }
0x43: {  	v3 =	vor.u32 v3, v4  }
0x44: {  	v4 =	vperm.xlane v3, v0;
	_ =	sdelay $0x1  }
0x45: {  	v4 =	vadd.s32 v1, v4;
	_ =	sdelay $0x1  }
0x46: {  	v3 =	vperm.xlane v3, v2;
	_ =	sdelay $0x1  }
0x47: {  	v3 =	vadd.s32 v1, v3  }
0x48: {  	[hbm4b:s3+s2] =	stream.indirect_vreg.scatter [tilespmem:s19], [sflag:$0x1], $0x80, v4, vm0, $0xb8;
	[tilespmem:$0x6100] =	vst v63  }
0x49: {  	_ = 	snop  }
0x4a: {  	[hbm4b:s7+s2] =	stream.indirect_vreg.scatter [tilespmem:s20], [sflag:$0x1], $0x80, v4, vm1, $0xb8;
	[tilespmem:$0x6100] =	vst v63  }
0x4b: {  	_ = 	snop  }
0x4c: {  	[hbm4b:s3+s2] =	stream.indirect_vreg.scatter [tilespmem:s21], [sflag:$0x1], $0x80, v3, vm0, $0xb8;
	[tilespmem:$0x6100] =	vst v63  }
0x4d: {  	_ = 	snop  }
0x4e: {  	[hbm4b:s7+s2] =	stream.indirect_vreg.scatter [tilespmem:s22], [sflag:$0x1], $0x80, v3, vm1, $0xb8;
	[tilespmem:$0x6100] =	vst v63  }
0x4f: {  	v3 =	vld [tilespmem:$0x6030];
	_ =	sdelay $0x4  }
0x50: {  	v59 =	vshrl.u32 v3, $0x3  }
0x51: {  	v4 =	vmul.u32 $0x18, v59  }
0x52: {  	v3 =	vand.u32 $0x7, v3  }
0x53: {  	v3 =	vor.u32 v3, v4  }
0x54: {  	v4 =	vperm.xlane v3, v0;
	_ =	sdelay $0x1  }
0x55: {  	v4 =	vadd.s32 v1, v4;
	_ =	sdelay $0x1  }
0x56: {  	v3 =	vperm.xlane v3, v2;
	_ =	sdelay $0x1  }
0x57: {  	v3 =	vadd.s32 v1, v3  }
0x58: {  	[hbm4b:s3+s2] =	stream.indirect_vreg.scatter [tilespmem:s23], [sflag:$0x1], $0x80, v4, vm0, $0xb8;
	[tilespmem:$0x6100] =	vst v63  }
0x59: {  	_ = 	snop  }
0x5a: {  	[hbm4b:s7+s2] =	stream.indirect_vreg.scatter [tilespmem:s24], [sflag:$0x1], $0x80, v4, vm1, $0xb8;
	[tilespmem:$0x6100] =	vst v63  }
0x5b: {  	_ = 	snop  }
0x5c: {  	[hbm4b:s3+s2] =	stream.indirect_vreg.scatter [tilespmem:s25], [sflag:$0x1], $0x80, v3, vm0, $0xb8;
	[tilespmem:$0x6100] =	vst v63  }
0x5d: {  	_ = 	snop  }
0x5e: {  	[hbm4b:s7+s2] =	stream.indirect_vreg.scatter [tilespmem:s26], [sflag:$0x1], $0x80, v3, vm1, $0xb8;
	[tilespmem:$0x6100] =	vst v63  }
0x5f: {  	_ =	swait.ge [sflag:s28], $0x6000  }
0x60: {  	[sflag:s28] =	ssyncset.done $0x0  }
0x61: {  	[sflag:s28] =	ssyncadd.s32 $0xFFFFA000  }
0x62: {  	v3 =	vld [tilespmem:$0x6080];
	_ =	sdelay $0x4  }
0x63: {  	v60 =	vshrl.u32 v3, $0x3  }
0x64: {  	v4 =	vmul.u32 $0x18, v60  }
0x65: {  	v3 =	vand.u32 $0x7, v3  }
0x66: {  	v3 =	vor.u32 v3, v4  }
0x67: {  	v4 =	vperm.xlane v3, v0;
	_ =	sdelay $0x1  }
0x68: {  	v4 =	vadd.s32 v1, v4;
	_ =	sdelay $0x1  }
0x69: {  	v3 =	vperm.xlane v3, v2;
	_ =	sdelay $0x1  }
0x6a: {  	v3 =	vadd.s32 v1, v3  }
0x6b: {  	[hbm4b:s3+s2] =	stream.indirect_vreg.scatter [tilespmem:s2], [sflag:$0x1], $0x80, v4, vm0, $0xb8;
	[tilespmem:$0x6100] =	vst v63  }
0x6c: {  	_ = 	snop  }
0x6d: {  	[hbm4b:s7+s2] =	stream.indirect_vreg.scatter [tilespmem:s12], [sflag:$0x1], $0x80, v4, vm1, $0xb8;
	[tilespmem:$0x6100] =	vst v63  }
0x6e: {  	_ = 	snop  }
0x6f: {  	[hbm4b:s3+s2] =	stream.indirect_vreg.scatter [tilespmem:s13], [sflag:$0x1], $0x80, v3, vm0, $0xb8;
	[tilespmem:$0x6100] =	vst v63  }
0x70: {  	_ = 	snop  }
0x71: {  	[hbm4b:s7+s2] =	stream.indirect_vreg.scatter [tilespmem:s14], [sflag:$0x1], $0x80, v3, vm1, $0xb8;
	[tilespmem:$0x6100] =	vst v63  }
0x72: {  	v3 =	vld [tilespmem:$0x6090];
	_ =	sdelay $0x4  }
0x73: {  	v61 =	vshrl.u32 v3, $0x3  }
0x74: {  	v4 =	vmul.u32 $0x18, v61  }
0x75: {  	v3 =	vand.u32 $0x7, v3  }
0x76: {  	v3 =	vor.u32 v3, v4  }
0x77: {  	v4 =	vperm.xlane v3, v0;
	_ =	sdelay $0x1  }
0x78: {  	v4 =	vadd.s32 v1, v4;
	_ =	sdelay $0x1  }
0x79: {  	v3 =	vperm.xlane v3, v2;
	_ =	sdelay $0x1  }
0x7a: {  	v3 =	vadd.s32 v1, v3  }
0x7b: {  	[hbm4b:s3+s2] =	stream.indirect_vreg.scatter [tilespmem:s15], [sflag:$0x1], $0x80, v4, vm0, $0xb8;
	[tilespmem:$0x6100] =	vst v63  }
0x7c: {  	_ = 	snop  }
0x7d: {  	[hbm4b:s7+s2] =	stream.indirect_vreg.scatter [tilespmem:s16], [sflag:$0x1], $0x80, v4, vm1, $0xb8;
	[tilespmem:$0x6100] =	vst v63  }
0x7e: {  	_ = 	snop  }
0x7f: {  	[hbm4b:s3+s2] =	stream.indirect_vreg.scatter [tilespmem:s17], [sflag:$0x1], $0x80, v3, vm0, $0xb8;
	[tilespmem:$0x6100] =	vst v63  }
0x80: {  	_ = 	snop  }
0x81: {  	[hbm4b:s7+s2] =	stream.indirect_vreg.scatter [tilespmem:s18], [sflag:$0x1], $0x80, v3, vm1, $0xb8;
	[tilespmem:$0x6100] =	vst v63  }
0x82: {  	v3 =	vld [tilespmem:$0x60A0];
	_ =	sdelay $0x4  }
0x83: {  	v62 =	vshrl.u32 v3, $0x3  }
0x84: {  	v4 =	vmul.u32 $0x18, v62  }
0x85: {  	v3 =	vand.u32 $0x7, v3  }
0x86: {  	v3 =	vor.u32 v3, v4  }
0x87: {  	v4 =	vperm.xlane v3, v0;
	_ =	sdelay $0x1  }
0x88: {  	v4 =	vadd.s32 v1, v4;
	_ =	sdelay $0x1  }
0x89: {  	v3 =	vperm.xlane v3, v2;
	_ =	sdelay $0x1  }
0x8a: {  	v3 =	vadd.s32 v1, v3  }
0x8b: {  	[hbm4b:s3+s2] =	stream.indirect_vreg.scatter [tilespmem:s19], [sflag:$0x1], $0x80, v4, vm0, $0xb8;
	[tilespmem:$0x6100] =	vst v63  }
0x8c: {  	_ = 	snop  }
0x8d: {  	[hbm4b:s7+s2] =	stream.indirect_vreg.scatter [tilespmem:s20], [sflag:$0x1], $0x80, v4, vm1, $0xb8;
	[tilespmem:$0x6100] =	vst v63  }
0x8e: {  	_ = 	snop  }
0x8f: {  	[hbm4b:s3+s2] =	stream.indirect_vreg.scatter [tilespmem:s21], [sflag:$0x1], $0x80, v3, vm0, $0xb8;
	[tilespmem:$0x6100] =	vst v63  }
0x90: {  	_ = 	snop  }
0x91: {  	[hbm4b:s7+s2] =	stream.indirect_vreg.scatter [tilespmem:s22], [sflag:$0x1], $0x80, v3, vm1, $0xb8;
	[tilespmem:$0x6100] =	vst v63  }
0x92: {  	v3 =	vld [tilespmem:$0x60B0];
	_ =	sdelay $0x4  }
0x93: {  	v63 =	vshrl.u32 v3, $0x3  }
0x94: {  	v4 =	vmul.u32 $0x18, v63  }
0x95: {  	v3 =	vand.u32 $0x7, v3  }
0x96: {  	v3 =	vor.u32 v3, v4  }
0x97: {  	v4 =	vperm.xlane v3, v0;
	_ =	sdelay $0x1  }
0x98: {  	v4 =	vadd.s32 v1, v4;
	_ =	sdelay $0x1  }
0x99: {  	v3 =	vperm.xlane v3, v2;
	_ =	sdelay $0x1  }
0x9a: {  	v3 =	vadd.s32 v1, v3  }
0x9b: {  	[hbm4b:s3+s2] =	stream.indirect_vreg.scatter [tilespmem:s23], [sflag:$0x1], $0x80, v4, vm0, $0xb8;
	[tilespmem:$0x6100] =	vst v63  }
0x9c: {  	_ = 	snop  }
0x9d: {  	[hbm4b:s7+s2] =	stream.indirect_vreg.scatter [tilespmem:s24], [sflag:$0x1], $0x80, v4, vm1, $0xb8;
	[tilespmem:$0x6100] =	vst v63  }
0x9e: {  	p0 =	sne.s32 s8, $0x1  }
0x9f: {  	[hbm4b:s3+s2] =	stream.indirect_vreg.scatter [tilespmem:s25], [sflag:$0x1], $0x80, v3, vm0, $0xb8;
	[tilespmem:$0x6100] =	vst v63  }
.Ltmp0:
0xa0: {  	_ = 	snop;
	(pc) =	sbr.rel @p0 .LBB2_1-.Ltmp0, $4  }
0xa1: {  	[hbm4b:s7+s2] =	stream.indirect_vreg.scatter [tilespmem:s26], [sflag:$0x1], $0x80, v3, vm1, $0xb8;
	[tilespmem:$0x6100] =	vst v63  }
0xa2: {  	_ =	swait.ge [sflag:s28], $0x6000  }
0xa3: {  	[sflag:s28] =	ssyncset.done $0x0  }
0xa4: {  	s8 =	sadd.s32 $0xFFFFFFFF, s8;
	[sflag:s28] =	ssyncadd.s32 $0xFFFFA000  }
0xa5: {  	_ =	sfence.sel $0x180000  }
0xa6: {  	[bflag:$0x0] =	sbarrier.arrive $0xFFFF  }
0xa7: {  	p0 =	sne.s32 s1, $0x0;
	_ =	strace $0x90000047  }
0xa8: {  	s0 =	sadd.s32 @!p0 $0x100000, s0;
	[bflag:$0x2] =	sbarrier.arrive $0xFFFF  }
0xa9: {  	[sflag:s0] =	ssyncadd.tile.s32 @!p0 $0x1;
	_ =	shalt  }
.Lfunc_end2:
_tile_overlayer_lowered:
.L_overlay_start_2:
0xaa: {  	(tag) =	ssettag $0x2  }
0xab: {  	s0 =	rddreg [dreg:$0x0];
	s2 =	stileid.u32  }
0xac: {  	s1 =	rddreg [dreg:$0x1];
	p0 =	sne.s32 s2, $0x0  }
0xad: {  	s3 =	rddreg [dreg:$0x2];
	[bflag:$0x3] =	sbarrier.arrive $0xFFFF;
	s2 =	simm.s32 @!p0 $0x1C02  }
0xae: {  	[timem:s3], [sflag:s2] =	dma.local @!p0 [hbm:s0], s1  }
0xaf: {  	s0 =	simm.s32 @!p0 $0x2  }
0xb0: {  	_ =	swait.ge @!p0 [sflag:s0], s1  }
0xb1: {  	s1 =	ssub.s32 @!p0 $0x0, s1;
	[sflag:s0] =	ssyncset.done @!p0 $0x0  }
0xb2: {  	[sflag:s0] =	ssyncadd.s32 @!p0 s1  }
0xb3: {  	[bflag:$0x3] =	sbarrier.arrive $0xFFFF  }
0xb4: {  	_ =	shalt  }

</sc_bundles>
